<compile_context>
chip_gen: v7x
topology: tpu7x:2x2x1
jax: 0.10.2.dev20260603
libtpu: 0.0.44.dev20260713+nightly
codegen_flags: <defaults>
</compile_context>

<pallas_src>
import jax
import jax.numpy as jnp
import numpy as np
from jax import lax
from jax.experimental import pallas as pl
from jax.experimental.pallas import tpu as pltpu
from jax.experimental.pallas import tpu_sc as plsc

D = 64
SEQ = 200
BATCH = 1024
SCALE = float(np.sqrt(D))

NC = 2
NS = 16
NW = NC * NS
ROWS = BATCH * SEQ
ROWS_W = ROWS // NW
CH = 2 * SEQ
NCH = ROWS_W // CH
NBUF = 2


def _make_pe():
    pos = np.arange(SEQ, dtype=np.float64)[:, None]
    i_even = np.arange(0, D, 2, dtype=np.float64)
    pe = np.zeros((SEQ, D), dtype=np.float64)
    pe[:, 0::2] = np.sin(pos / (10000.0 ** (2.0 * i_even / D)))
    pe[:, 1::2] = np.cos(pos / (10000.0 ** (2.0 * (i_even + 1.0) / D)))
    return pe.astype(np.float32)


_PE = _make_pe()


def _sc_body(table, idxf, pe, out, idx_v, pe_v, in_bufs, out_bufs, gsems, ssems):
    c = lax.axis_index("c")
    s = lax.axis_index("s")
    wid = s * NC + c
    rbase = wid * ROWS_W

    pltpu.sync_copy(idxf.at[pl.ds(rbase, ROWS_W)], idx_v)
    pltpu.sync_copy(pe, pe_v)

    for b in range(NBUF):
        pltpu.async_copy(table.at[idx_v.at[pl.ds(b * CH, CH)]],
                         in_bufs[b], gsems[b])

    @pl.loop(0, NCH, step=NBUF)
    def _chunks(g):
        for b in range(NBUF):
            cidx = g + b

            pltpu.make_async_copy(table.at[pl.ds(0, CH)],
                                  in_bufs[b], gsems[b]).wait()

            @pl.when(cidx >= NBUF)
            def _():
                pltpu.make_async_copy(out_bufs[b],
                                      out.at[pl.ds(0, CH)], ssems[b]).wait()

            for h in range(CH // SEQ):
                @pl.loop(0, SEQ)
                def _rows(r):
                    for q in range(D // 16):
                        sl = pl.ds(q * 16, 16)
                        out_bufs[b][h * SEQ + r, sl] = (
                            in_bufs[b][h * SEQ + r, sl] * SCALE + pe_v[r, sl])

            @pl.when(cidx + NBUF < NCH)
            def _():
                pltpu.async_copy(
                    table.at[idx_v.at[pl.ds((cidx + NBUF) * CH, CH)]],
                    in_bufs[b], gsems[b])

            pltpu.async_copy(out_bufs[b],
                             out.at[pl.ds(rbase + cidx * CH, CH)], ssems[b])

    for b in range(NBUF):
        pltpu.make_async_copy(out_bufs[b], out.at[pl.ds(0, CH)],
                              ssems[b]).wait()


def kernel(x, embed_table):
    pe = jnp.asarray(_PE)
    idx_flat = x.reshape(ROWS)

    mesh = plsc.VectorSubcoreMesh(core_axis_name="c", subcore_axis_name="s",
                                  num_cores=NC, num_subcores=NS)

    def body(table, idxf, pe_in, out, idx_v, pe_v,
             in0, in1, out0, out1, gs0, gs1, ss0, ss1):
        _sc_body(table, idxf, pe_in, out, idx_v, pe_v,
                 (in0, in1), (out0, out1), (gs0, gs1), (ss0, ss1))

    out_flat = pl.kernel(
        body,
        out_type=jax.ShapeDtypeStruct((ROWS, D), jnp.float32),
        mesh=mesh,
        compiler_params=pltpu.CompilerParams(use_tc_tiling_on_sc=False),
        scratch_types=[
            pltpu.VMEM((ROWS_W,), jnp.int32),
            pltpu.VMEM((SEQ, D), jnp.float32),
            pltpu.VMEM((CH, D), jnp.float32),
            pltpu.VMEM((CH, D), jnp.float32),
            pltpu.VMEM((CH, D), jnp.float32),
            pltpu.VMEM((CH, D), jnp.float32),
            pltpu.SemaphoreType.DMA,
            pltpu.SemaphoreType.DMA,
            pltpu.SemaphoreType.DMA,
            pltpu.SemaphoreType.DMA,
        ],
    )(embed_table, idx_flat, pe)

    return out_flat.reshape(BATCH, SEQ, D)

# --- scband reference (transcript-rebuilt; emitter-appended) ---
"""Pipeline reference for scband-positional-encoder-85890755985612 (READ-ONLY COPY).

The authoritative reference and input builder live on the scoring server;
editing this copy changes nothing except your own understanding.
"""

import jax, jax.numpy as jnp
import numpy as np

VOCAB = 1000000
D = 64
MAXLEN = 200
BATCH = 1024
SEQ = 200


def _make_pe():
    # Faithful to the torch loop:
    #   pe[pos, i]   = sin(pos / 10000 ** (2*i/d_model))       for even i
    #   pe[pos, i+1] = cos(pos / 10000 ** (2*(i+1)/d_model))
    pos = np.arange(MAXLEN, dtype=np.float64)[:, None]
    i_even = np.arange(0, D, 2, dtype=np.float64)
    pe = np.zeros((MAXLEN, D), dtype=np.float64)
    pe[:, 0::2] = np.sin(pos / (10000.0 ** (2.0 * i_even / D)))
    pe[:, 1::2] = np.cos(pos / (10000.0 ** (2.0 * (i_even + 1.0) / D)))
    return jnp.asarray(pe[None, :, :], dtype=jnp.float32)


def setup_inputs(seed: int = 0) -> dict:
    key = jax.random.key(seed)
    k1, k2 = jax.random.split(key)
    x = jax.random.randint(k1, (BATCH, SEQ), 0, VOCAB, dtype=jnp.int32)
    # nn.Embedding default init: N(0, 1)
    embed_table = jax.random.normal(k2, (VOCAB, D), dtype=jnp.float32)
    return {"x": x, "embed_table": embed_table}


def reference(x, embed_table):
    pe = _make_pe()
    # embedding gather -> scale -> add positional encoding
    out = jnp.take(embed_table, x, axis=0) * jnp.float32(np.sqrt(D))
    seq_len = out.shape[1]
    out = out + pe[:, :seq_len]
    # dropout is identity in eval mode
    return out

if __name__ == "__main__":
    import jax
    _d = setup_inputs()
    print(jax.jit(kernel)(*tuple(_d.values())))

</pallas_src>

<mosaic_0001>
#map = affine_map<(d0, d1) -> (0, 0)>
#map1 = affine_map<(d0, d1) -> (0)>
module attributes {stable_mosaic.version = 14 : i64} {
  func.func @body(%arg0: i32, %arg1: i32, %arg2: memref<1000000x64xf32, #tpu.memory_space<hbm>>, %arg3: memref<204800xi32, #tpu.memory_space<hbm>>, %arg4: memref<200x64xf32, #tpu.memory_space<hbm>>, %arg5: memref<204800x64xf32, #tpu.memory_space<hbm>>, %arg6: memref<6400xi32, #tpu.memory_space<vmem>>, %arg7: memref<200x64xf32, #tpu.memory_space<vmem>>, %arg8: memref<400x64xf32, #tpu.memory_space<vmem>>, %arg9: memref<400x64xf32, #tpu.memory_space<vmem>>, %arg10: memref<400x64xf32, #tpu.memory_space<vmem>>, %arg11: memref<400x64xf32, #tpu.memory_space<vmem>>, %arg12: memref<!tpu.dma_semaphore, #tpu.memory_space<semaphore_mem>>, %arg13: memref<!tpu.dma_semaphore, #tpu.memory_space<semaphore_mem>>, %arg14: memref<!tpu.dma_semaphore, #tpu.memory_space<semaphore_mem>>, %arg15: memref<!tpu.dma_semaphore, #tpu.memory_space<semaphore_mem>>) attributes {dimension_semantics = [#tpu.dimension_semantics<core_parallel>, #tpu.dimension_semantics<subcore_parallel>], iteration_bounds = array<i64: 2, 16>, scalar_prefetch = 0 : i64, scratch_operands = 10 : i64, tpu.core_type = #tpu.core_type<sc_vector_subcore>, window_params = [{transform_indices = #map}, {transform_indices = #map1}, {transform_indices = #map}, {transform_indices = #map}]} {
    %mul3A = arith.constant 2 : i32
    %mul3A_0 = arith.muli %arg1, %mul3A : i32
    %add3A = arith.addi %mul3A_0, %arg0 : i32
    %mul3A_1 = arith.constant 6400 : i32
    %mul3A_2 = arith.muli %add3A, %mul3A_1 : i32
    "tpu.region"() ({
      %run_scoped3A = tpu.sem_alloc : memref<!tpu.dma_semaphore, #tpu.memory_space<semaphore_mem>>
      %dma_start3A_27 = tpu.memref_slice %arg3[%mul3A_2] : memref<204800xi32, #tpu.memory_space<hbm>> -> memref<6400xi32, #tpu.memory_space<hbm>>
      %dma_start3A_28 = tpu.memref_slice %arg3[%mul3A_2] : memref<204800xi32, #tpu.memory_space<hbm>> -> memref<6400xi32, #tpu.memory_space<hbm>>
      tpu.enqueue_dma source(%dma_start3A_28 : memref<6400xi32, #tpu.memory_space<hbm>>) target(%arg6 : memref<6400xi32, #tpu.memory_space<vmem>>) target_semaphore(%run_scoped3A : memref<!tpu.dma_semaphore, #tpu.memory_space<semaphore_mem>>)
      %dma_wait3A_29 = tpu.memref_slice %arg3[%mul3A_2] : memref<204800xi32, #tpu.memory_space<hbm>> -> memref<6400xi32, #tpu.memory_space<hbm>>
      %dma_wait3A_30 = tpu.memref_slice %arg3[%mul3A_2] : memref<204800xi32, #tpu.memory_space<hbm>> -> memref<6400xi32, #tpu.memory_space<hbm>>
      tpu.wait_dma2 semaphore(%run_scoped3A : memref<!tpu.dma_semaphore, #tpu.memory_space<semaphore_mem>>) src(%dma_wait3A_30 : memref<6400xi32, #tpu.memory_space<hbm>>) dst(%arg6 : memref<6400xi32, #tpu.memory_space<vmem>>)
      tpu.yield
    }) : () -> ()
    "tpu.region"() ({
      %run_scoped3A = tpu.sem_alloc : memref<!tpu.dma_semaphore, #tpu.memory_space<semaphore_mem>>
      tpu.enqueue_dma source(%arg4 : memref<200x64xf32, #tpu.memory_space<hbm>>) target(%arg7 : memref<200x64xf32, #tpu.memory_space<vmem>>) target_semaphore(%run_scoped3A : memref<!tpu.dma_semaphore, #tpu.memory_space<semaphore_mem>>)
      tpu.wait_dma2 semaphore(%run_scoped3A : memref<!tpu.dma_semaphore, #tpu.memory_space<semaphore_mem>>) src(%arg4 : memref<200x64xf32, #tpu.memory_space<hbm>>) dst(%arg7 : memref<200x64xf32, #tpu.memory_space<vmem>>)
      tpu.yield
    }) : () -> ()
    %dma_start3A = arith.constant 0 : i32
    %dma_start3A_3 = tpu.memref_slice %arg6[%dma_start3A] : memref<6400xi32, #tpu.memory_space<vmem>> -> memref<400xi32, #tpu.memory_space<vmem>>
    %dma_start3A_4 = arith.constant 0 : i32
    %dma_start3A_5 = arith.constant 0 : i32
    %dma_start3A_6 = tpu.memref_slice %arg2[%dma_start3A_4, %dma_start3A_5] : memref<1000000x64xf32, #tpu.memory_space<hbm>> -> memref<1000000x64xf32, #tpu.memory_space<hbm>>
    tpu.enqueue_indirect_dma source(%dma_start3A_6 : memref<1000000x64xf32, #tpu.memory_space<hbm>>) target(%arg8 : memref<400x64xf32, #tpu.memory_space<vmem>>) offsets(%dma_start3A_3 : memref<400xi32, #tpu.memory_space<vmem>>) semaphore(%arg12 : memref<!tpu.dma_semaphore, #tpu.memory_space<semaphore_mem>>)
    %dma_start3A_7 = arith.constant 400 : i32
    %dma_start3A_8 = tpu.memref_slice %arg6[%dma_start3A_7] : memref<6400xi32, #tpu.memory_space<vmem>> -> memref<400xi32, #tpu.memory_space<vmem>>
    %dma_start3A_9 = arith.constant 0 : i32
    %dma_start3A_10 = arith.constant 0 : i32
    %dma_start3A_11 = tpu.memref_slice %arg2[%dma_start3A_9, %dma_start3A_10] : memref<1000000x64xf32, #tpu.memory_space<hbm>> -> memref<1000000x64xf32, #tpu.memory_space<hbm>>
    tpu.enqueue_indirect_dma source(%dma_start3A_11 : memref<1000000x64xf32, #tpu.memory_space<hbm>>) target(%arg9 : memref<400x64xf32, #tpu.memory_space<vmem>>) offsets(%dma_start3A_8 : memref<400xi32, #tpu.memory_space<vmem>>) semaphore(%arg13 : memref<!tpu.dma_semaphore, #tpu.memory_space<semaphore_mem>>)
    %scan3A = arith.constant 0 : i32
    %scan3A_12 = arith.constant 8 : i32
    %scan3A_13 = arith.addi %scan3A, %scan3A_12 : i32
    %scan3A_14 = arith.constant 1 : i32
    scf.for %scan3A_27 = %scan3A to %scan3A_13 step %scan3A_14  : i32 {
      %mul3A_28 = arith.constant 2 : i32
      %mul3A_29 = arith.muli %scan3A_27, %mul3A_28 : i32
      %add3A_30 = arith.constant 0 : i32
      %add3A_31 = arith.addi %add3A_30, %mul3A_29 : i32
      %add3A_32 = arith.constant 0 : i32
      %add3A_33 = arith.addi %add3A_31, %add3A_32 : i32
      %dma_wait3A_34 = arith.constant 0 : i32
      %dma_wait3A_35 = arith.constant 0 : i32
      %dma_wait3A_36 = tpu.memref_slice %arg2[%dma_wait3A_34, %dma_wait3A_35] : memref<1000000x64xf32, #tpu.memory_space<hbm>> -> memref<400x64xf32, #tpu.memory_space<hbm>>
      %dma_wait3A_37 = arith.constant 0 : i32
      %dma_wait3A_38 = arith.constant 0 : i32
      %dma_wait3A_39 = tpu.memref_slice %arg2[%dma_wait3A_37, %dma_wait3A_38] : memref<1000000x64xf32, #tpu.memory_space<hbm>> -> memref<400x64xf32, #tpu.memory_space<hbm>>
      tpu.wait_dma2 semaphore(%arg12 : memref<!tpu.dma_semaphore, #tpu.memory_space<semaphore_mem>>) src(%dma_wait3A_39 : memref<400x64xf32, #tpu.memory_space<hbm>>) dst(%arg8 : memref<400x64xf32, #tpu.memory_space<vmem>>)
      %ge3A = arith.constant 2 : i32
      %ge3A_40 = arith.cmpi sge, %add3A_33, %ge3A : i32
      %convert_element_type3A = arith.extui %ge3A_40 : i1 to i32
      %cond3A = arith.constant 0 : i32
      %cond3A_41 = arith.cmpi ne, %convert_element_type3A, %cond3A : i32
      scf.if %cond3A_41 {
        %dma_wait3A_102 = arith.constant 0 : i32
        %dma_wait3A_103 = arith.constant 0 : i32
        %dma_wait3A_104 = tpu.memref_slice %arg5[%dma_wait3A_102, %dma_wait3A_103] : memref<204800x64xf32, #tpu.memory_space<hbm>> -> memref<400x64xf32, #tpu.memory_space<hbm>>
        %dma_wait3A_105 = arith.constant 0 : i32
        %dma_wait3A_106 = arith.constant 0 : i32
        %dma_wait3A_107 = tpu.memref_slice %arg5[%dma_wait3A_105, %dma_wait3A_106] : memref<204800x64xf32, #tpu.memory_space<hbm>> -> memref<400x64xf32, #tpu.memory_space<hbm>>
        tpu.wait_dma2 semaphore(%arg14 : memref<!tpu.dma_semaphore, #tpu.memory_space<semaphore_mem>>) src(%arg10 : memref<400x64xf32, #tpu.memory_space<vmem>>) dst(%dma_wait3A_107 : memref<400x64xf32, #tpu.memory_space<hbm>>)
      } else {
      }
      %scan3A_42 = arith.constant 0 : i32
      %scan3A_43 = arith.constant 200 : i32
      %scan3A_44 = arith.addi %scan3A_42, %scan3A_43 : i32
      %scan3A_45 = arith.constant 1 : i32
      scf.for %scan3A_102 = %scan3A_42 to %scan3A_44 step %scan3A_45  : i32 {
        %mul3A_103 = arith.constant 1 : i32
        %mul3A_104 = arith.muli %scan3A_102, %mul3A_103 : i32
        %add3A_105 = arith.constant 0 : i32
        %add3A_106 = arith.addi %add3A_105, %mul3A_104 : i32
        %add3A_107 = arith.constant 0 : i32
        %add3A_108 = arith.addi %add3A_107, %add3A_106 : i32
        %get3A = arith.index_cast %add3A_108 : i32 to index
        %get3A_109 = arith.constant 0 : index
        %get3A_110 = tpu.vector_load %arg8[%get3A, %get3A_109] {strides = array<i32>} : memref<400x64xf32, #tpu.memory_space<vmem>>, vector<1x16xf32>,
        %get3A_111 = vector.shape_cast %get3A_110 : vector<1x16xf32> to vector<16xf32>
        %mul3A_112 = arith.constant 8.000000e+00 : f32
        %mul3A_113 = vector.broadcast %mul3A_112 : f32 to vector<16xf32>
        %mul3A_114 = arith.mulf %get3A_111, %mul3A_113 : vector<16xf32>
        %get3A_115 = arith.index_cast %add3A_106 : i32 to index
        %get3A_116 = arith.constant 0 : index
        %get3A_117 = tpu.vector_load %arg7[%get3A_115, %get3A_116] {strides = array<i32>} : memref<200x64xf32, #tpu.memory_space<vmem>>, vector<1x16xf32>,
        %get3A_118 = vector.shape_cast %get3A_117 : vector<1x16xf32> to vector<16xf32>
        %add3A_119 = arith.addf %mul3A_114, %get3A_118 : vector<16xf32>
        %add3A_120 = arith.constant 0 : i32
        %add3A_121 = arith.addi %add3A_120, %add3A_106 : i32
        %swap3A = arith.index_cast %add3A_121 : i32 to index
        %swap3A_122 = arith.constant 0 : index
        %swap3A_123 = tpu.vector_load %arg10[%swap3A, %swap3A_122] {strides = array<i32>} : memref<400x64xf32, #tpu.memory_space<vmem>>, vector<1x16xf32>,
        %swap3A_124 = vector.shape_cast %swap3A_123 : vector<1x16xf32> to vector<16xf32>
        %swap3A_125 = vector.shape_cast %add3A_119 : vector<16xf32> to vector<1x16xf32>
        tpu.vector_store %arg10[%swap3A, %swap3A_122], %swap3A_125 {strides = array<i32>} : memref<400x64xf32, #tpu.memory_space<vmem>>, vector<1x16xf32>,
        %add3A_126 = arith.constant 0 : i32
        %add3A_127 = arith.addi %add3A_126, %add3A_106 : i32
        %get3A_128 = arith.index_cast %add3A_127 : i32 to index
        %get3A_129 = arith.constant 16 : index
        %get3A_130 = tpu.vector_load %arg8[%get3A_128, %get3A_129] {strides = array<i32>} : memref<400x64xf32, #tpu.memory_space<vmem>>, vector<1x16xf32>,
        %get3A_131 = vector.shape_cast %get3A_130 : vector<1x16xf32> to vector<16xf32>
        %mul3A_132 = arith.constant 8.000000e+00 : f32
        %mul3A_133 = vector.broadcast %mul3A_132 : f32 to vector<16xf32>
        %mul3A_134 = arith.mulf %get3A_131, %mul3A_133 : vector<16xf32>
        %get3A_135 = arith.index_cast %add3A_106 : i32 to index
        %get3A_136 = arith.constant 16 : index
        %get3A_137 = tpu.vector_load %arg7[%get3A_135, %get3A_136] {strides = array<i32>} : memref<200x64xf32, #tpu.memory_space<vmem>>, vector<1x16xf32>,
        %get3A_138 = vector.shape_cast %get3A_137 : vector<1x16xf32> to vector<16xf32>
        %add3A_139 = arith.addf %mul3A_134, %get3A_138 : vector<16xf32>
        %add3A_140 = arith.constant 0 : i32
        %add3A_141 = arith.addi %add3A_140, %add3A_106 : i32
        %swap3A_142 = arith.index_cast %add3A_141 : i32 to index
        %swap3A_143 = arith.constant 16 : index
        %swap3A_144 = tpu.vector_load %arg10[%swap3A_142, %swap3A_143] {strides = array<i32>} : memref<400x64xf32, #tpu.memory_space<vmem>>, vector<1x16xf32>,
        %swap3A_145 = vector.shape_cast %swap3A_144 : vector<1x16xf32> to vector<16xf32>
        %swap3A_146 = vector.shape_cast %add3A_139 : vector<16xf32> to vector<1x16xf32>
        tpu.vector_store %arg10[%swap3A_142, %swap3A_143], %swap3A_146 {strides = array<i32>} : memref<400x64xf32, #tpu.memory_space<vmem>>, vector<1x16xf32>,
        %add3A_147 = arith.constant 0 : i32
        %add3A_148 = arith.addi %add3A_147, %add3A_106 : i32
        %get3A_149 = arith.index_cast %add3A_148 : i32 to index
        %get3A_150 = arith.constant 32 : index
        %get3A_151 = tpu.vector_load %arg8[%get3A_149, %get3A_150] {strides = array<i32>} : memref<400x64xf32, #tpu.memory_space<vmem>>, vector<1x16xf32>,
        %get3A_152 = vector.shape_cast %get3A_151 : vector<1x16xf32> to vector<16xf32>
        %mul3A_153 = arith.constant 8.000000e+00 : f32
        %mul3A_154 = vector.broadcast %mul3A_153 : f32 to vector<16xf32>
        %mul3A_155 = arith.mulf %get3A_152, %mul3A_154 : vector<16xf32>
        %get3A_156 = arith.index_cast %add3A_106 : i32 to index
        %get3A_157 = arith.constant 32 : index
        %get3A_158 = tpu.vector_load %arg7[%get3A_156, %get3A_157] {strides = array<i32>} : memref<200x64xf32, #tpu.memory_space<vmem>>, vector<1x16xf32>,
        %get3A_159 = vector.shape_cast %get3A_158 : vector<1x16xf32> to vector<16xf32>
        %add3A_160 = arith.addf %mul3A_155, %get3A_159 : vector<16xf32>
        %add3A_161 = arith.constant 0 : i32
        %add3A_162 = arith.addi %add3A_161, %add3A_106 : i32
        %swap3A_163 = arith.index_cast %add3A_162 : i32 to index
        %swap3A_164 = arith.constant 32 : index
        %swap3A_165 = tpu.vector_load %arg10[%swap3A_163, %swap3A_164] {strides = array<i32>} : memref<400x64xf32, #tpu.memory_space<vmem>>, vector<1x16xf32>,
        %swap3A_166 = vector.shape_cast %swap3A_165 : vector<1x16xf32> to vector<16xf32>
        %swap3A_167 = vector.shape_cast %add3A_160 : vector<16xf32> to vector<1x16xf32>
        tpu.vector_store %arg10[%swap3A_163, %swap3A_164], %swap3A_167 {strides = array<i32>} : memref<400x64xf32, #tpu.memory_space<vmem>>, vector<1x16xf32>,
        %add3A_168 = arith.constant 0 : i32
        %add3A_169 = arith.addi %add3A_168, %add3A_106 : i32
        %get3A_170 = arith.index_cast %add3A_169 : i32 to index
        %get3A_171 = arith.constant 48 : index
        %get3A_172 = tpu.vector_load %arg8[%get3A_170, %get3A_171] {strides = array<i32>} : memref<400x64xf32, #tpu.memory_space<vmem>>, vector<1x16xf32>,
        %get3A_173 = vector.shape_cast %get3A_172 : vector<1x16xf32> to vector<16xf32>
        %mul3A_174 = arith.constant 8.000000e+00 : f32
        %mul3A_175 = vector.broadcast %mul3A_174 : f32 to vector<16xf32>
        %mul3A_176 = arith.mulf %get3A_173, %mul3A_175 : vector<16xf32>
        %get3A_177 = arith.index_cast %add3A_106 : i32 to index
        %get3A_178 = arith.constant 48 : index
        %get3A_179 = tpu.vector_load %arg7[%get3A_177, %get3A_178] {strides = array<i32>} : memref<200x64xf32, #tpu.memory_space<vmem>>, vector<1x16xf32>,
        %get3A_180 = vector.shape_cast %get3A_179 : vector<1x16xf32> to vector<16xf32>
        %add3A_181 = arith.addf %mul3A_176, %get3A_180 : vector<16xf32>
        %add3A_182 = arith.constant 0 : i32
        %add3A_183 = arith.addi %add3A_182, %add3A_106 : i32
        %swap3A_184 = arith.index_cast %add3A_183 : i32 to index
        %swap3A_185 = arith.constant 48 : index
        %swap3A_186 = tpu.vector_load %arg10[%swap3A_184, %swap3A_185] {strides = array<i32>} : memref<400x64xf32, #tpu.memory_space<vmem>>, vector<1x16xf32>,
        %swap3A_187 = vector.shape_cast %swap3A_186 : vector<1x16xf32> to vector<16xf32>
        %swap3A_188 = vector.shape_cast %add3A_181 : vector<16xf32> to vector<1x16xf32>
        tpu.vector_store %arg10[%swap3A_184, %swap3A_185], %swap3A_188 {strides = array<i32>} : memref<400x64xf32, #tpu.memory_space<vmem>>, vector<1x16xf32>,
      }
      %scan3A_46 = arith.constant 200 : i32
      %scan3A_47 = arith.constant 0 : i32
      %scan3A_48 = arith.constant 200 : i32
      %scan3A_49 = arith.addi %scan3A_47, %scan3A_48 : i32
      %scan3A_50 = arith.constant 1 : i32
      scf.for %scan3A_102 = %scan3A_47 to %scan3A_49 step %scan3A_50  : i32 {
        %mul3A_103 = arith.constant 1 : i32
        %mul3A_104 = arith.muli %scan3A_102, %mul3A_103 : i32
        %add3A_105 = arith.constant 0 : i32
        %add3A_106 = arith.addi %add3A_105, %mul3A_104 : i32
        %add3A_107 = arith.constant 200 : i32
        %add3A_108 = arith.addi %add3A_107, %add3A_106 : i32
        %get3A = arith.index_cast %add3A_108 : i32 to index
        %get3A_109 = arith.constant 0 : index
        %get3A_110 = tpu.vector_load %arg8[%get3A, %get3A_109] {strides = array<i32>} : memref<400x64xf32, #tpu.memory_space<vmem>>, vector<1x16xf32>,
        %get3A_111 = vector.shape_cast %get3A_110 : vector<1x16xf32> to vector<16xf32>
        %mul3A_112 = arith.constant 8.000000e+00 : f32
        %mul3A_113 = vector.broadcast %mul3A_112 : f32 to vector<16xf32>
        %mul3A_114 = arith.mulf %get3A_111, %mul3A_113 : vector<16xf32>
        %get3A_115 = arith.index_cast %add3A_106 : i32 to index
        %get3A_116 = arith.constant 0 : index
        %get3A_117 = tpu.vector_load %arg7[%get3A_115, %get3A_116] {strides = array<i32>} : memref<200x64xf32, #tpu.memory_space<vmem>>, vector<1x16xf32>,
        %get3A_118 = vector.shape_cast %get3A_117 : vector<1x16xf32> to vector<16xf32>
        %add3A_119 = arith.addf %mul3A_114, %get3A_118 : vector<16xf32>
        %add3A_120 = arith.constant 200 : i32
        %add3A_121 = arith.addi %add3A_120, %add3A_106 : i32
        %swap3A = arith.index_cast %add3A_121 : i32 to index
        %swap3A_122 = arith.constant 0 : index
        %swap3A_123 = tpu.vector_load %arg10[%swap3A, %swap3A_122] {strides = array<i32>} : memref<400x64xf32, #tpu.memory_space<vmem>>, vector<1x16xf32>,
        %swap3A_124 = vector.shape_cast %swap3A_123 : vector<1x16xf32> to vector<16xf32>
        %swap3A_125 = vector.shape_cast %add3A_119 : vector<16xf32> to vector<1x16xf32>
        tpu.vector_store %arg10[%swap3A, %swap3A_122], %swap3A_125 {strides = array<i32>} : memref<400x64xf32, #tpu.memory_space<vmem>>, vector<1x16xf32>,
        %add3A_126 = arith.constant 200 : i32
        %add3A_127 = arith.addi %add3A_126, %add3A_106 : i32
        %get3A_128 = arith.index_cast %add3A_127 : i32 to index
        %get3A_129 = arith.constant 16 : index
        %get3A_130 = tpu.vector_load %arg8[%get3A_128, %get3A_129] {strides = array<i32>} : memref<400x64xf32, #tpu.memory_space<vmem>>, vector<1x16xf32>,
        %get3A_131 = vector.shape_cast %get3A_130 : vector<1x16xf32> to vector<16xf32>
        %mul3A_132 = arith.constant 8.000000e+00 : f32
        %mul3A_133 = vector.broadcast %mul3A_132 : f32 to vector<16xf32>
        %mul3A_134 = arith.mulf %get3A_131, %mul3A_133 : vector<16xf32>
        %get3A_135 = arith.index_cast %add3A_106 : i32 to index
        %get3A_136 = arith.constant 16 : index
        %get3A_137 = tpu.vector_load %arg7[%get3A_135, %get3A_136] {strides = array<i32>} : memref<200x64xf32, #tpu.memory_space<vmem>>, vector<1x16xf32>,
        %get3A_138 = vector.shape_cast %get3A_137 : vector<1x16xf32> to vector<16xf32>
        %add3A_139 = arith.addf %mul3A_134, %get3A_138 : vector<16xf32>
        %add3A_140 = arith.constant 200 : i32
        %add3A_141 = arith.addi %add3A_140, %add3A_106 : i32
        %swap3A_142 = arith.index_cast %add3A_141 : i32 to index
        %swap3A_143 = arith.constant 16 : index
        %swap3A_144 = tpu.vector_load %arg10[%swap3A_142, %swap3A_143] {strides = array<i32>} : memref<400x64xf32, #tpu.memory_space<vmem>>, vector<1x16xf32>,
        %swap3A_145 = vector.shape_cast %swap3A_144 : vector<1x16xf32> to vector<16xf32>
        %swap3A_146 = vector.shape_cast %add3A_139 : vector<16xf32> to vector<1x16xf32>
        tpu.vector_store %arg10[%swap3A_142, %swap3A_143], %swap3A_146 {strides = array<i32>} : memref<400x64xf32, #tpu.memory_space<vmem>>, vector<1x16xf32>,
        %add3A_147 = arith.constant 200 : i32
        %add3A_148 = arith.addi %add3A_147, %add3A_106 : i32
        %get3A_149 = arith.index_cast %add3A_148 : i32 to index
        %get3A_150 = arith.constant 32 : index
        %get3A_151 = tpu.vector_load %arg8[%get3A_149, %get3A_150] {strides = array<i32>} : memref<400x64xf32, #tpu.memory_space<vmem>>, vector<1x16xf32>,
        %get3A_152 = vector.shape_cast %get3A_151 : vector<1x16xf32> to vector<16xf32>
        %mul3A_153 = arith.constant 8.000000e+00 : f32
        %mul3A_154 = vector.broadcast %mul3A_153 : f32 to vector<16xf32>
        %mul3A_155 = arith.mulf %get3A_152, %mul3A_154 : vector<16xf32>
        %get3A_156 = arith.index_cast %add3A_106 : i32 to index
        %get3A_157 = arith.constant 32 : index
        %get3A_158 = tpu.vector_load %arg7[%get3A_156, %get3A_157] {strides = array<i32>} : memref<200x64xf32, #tpu.memory_space<vmem>>, vector<1x16xf32>,
        %get3A_159 = vector.shape_cast %get3A_158 : vector<1x16xf32> to vector<16xf32>
        %add3A_160 = arith.addf %mul3A_155, %get3A_159 : vector<16xf32>
        %add3A_161 = arith.constant 200 : i32
        %add3A_162 = arith.addi %add3A_161, %add3A_106 : i32
        %swap3A_163 = arith.index_cast %add3A_162 : i32 to index
        %swap3A_164 = arith.constant 32 : index
        %swap3A_165 = tpu.vector_load %arg10[%swap3A_163, %swap3A_164] {strides = array<i32>} : memref<400x64xf32, #tpu.memory_space<vmem>>, vector<1x16xf32>,
        %swap3A_166 = vector.shape_cast %swap3A_165 : vector<1x16xf32> to vector<16xf32>
        %swap3A_167 = vector.shape_cast %add3A_160 : vector<16xf32> to vector<1x16xf32>
        tpu.vector_store %arg10[%swap3A_163, %swap3A_164], %swap3A_167 {strides = array<i32>} : memref<400x64xf32, #tpu.memory_space<vmem>>, vector<1x16xf32>,
        %add3A_168 = arith.constant 200 : i32
        %add3A_169 = arith.addi %add3A_168, %add3A_106 : i32
        %get3A_170 = arith.index_cast %add3A_169 : i32 to index
        %get3A_171 = arith.constant 48 : index
        %get3A_172 = tpu.vector_load %arg8[%get3A_170, %get3A_171] {strides = array<i32>} : memref<400x64xf32, #tpu.memory_space<vmem>>, vector<1x16xf32>,
        %get3A_173 = vector.shape_cast %get3A_172 : vector<1x16xf32> to vector<16xf32>
        %mul3A_174 = arith.constant 8.000000e+00 : f32
        %mul3A_175 = vector.broadcast %mul3A_174 : f32 to vector<16xf32>
        %mul3A_176 = arith.mulf %get3A_173, %mul3A_175 : vector<16xf32>
        %get3A_177 = arith.index_cast %add3A_106 : i32 to index
        %get3A_178 = arith.constant 48 : index
        %get3A_179 = tpu.vector_load %arg7[%get3A_177, %get3A_178] {strides = array<i32>} : memref<200x64xf32, #tpu.memory_space<vmem>>, vector<1x16xf32>,
        %get3A_180 = vector.shape_cast %get3A_179 : vector<1x16xf32> to vector<16xf32>
        %add3A_181 = arith.addf %mul3A_176, %get3A_180 : vector<16xf32>
        %add3A_182 = arith.constant 200 : i32
        %add3A_183 = arith.addi %add3A_182, %add3A_106 : i32
        %swap3A_184 = arith.index_cast %add3A_183 : i32 to index
        %swap3A_185 = arith.constant 48 : index
        %swap3A_186 = tpu.vector_load %arg10[%swap3A_184, %swap3A_185] {strides = array<i32>} : memref<400x64xf32, #tpu.memory_space<vmem>>, vector<1x16xf32>,
        %swap3A_187 = vector.shape_cast %swap3A_186 : vector<1x16xf32> to vector<16xf32>
        %swap3A_188 = vector.shape_cast %add3A_181 : vector<16xf32> to vector<1x16xf32>
        tpu.vector_store %arg10[%swap3A_184, %swap3A_185], %swap3A_188 {strides = array<i32>} : memref<400x64xf32, #tpu.memory_space<vmem>>, vector<1x16xf32>,
      }
      %scan3A_51 = arith.constant 200 : i32
      %add3A_52 = arith.constant 2 : i32
      %add3A_53 = arith.addi %add3A_33, %add3A_52 : i32
      %lt3A = arith.constant 16 : i32
      %lt3A_54 = arith.cmpi slt, %add3A_53, %lt3A : i32
      %convert_element_type3A_55 = arith.extui %lt3A_54 : i1 to i32
      %cond3A_56 = arith.constant 0 : i32
      %cond3A_57 = arith.cmpi ne, %convert_element_type3A_55, %cond3A_56 : i32
      scf.if %cond3A_57 {
        %add3A_102 = arith.constant 2 : i32
        %add3A_103 = arith.addi %add3A_33, %add3A_102 : i32
        %mul3A_104 = arith.constant 400 : i32
        %mul3A_105 = arith.muli %add3A_103, %mul3A_104 : i32
        %dma_start3A_106 = tpu.memref_slice %arg6[%mul3A_105] : memref<6400xi32, #tpu.memory_space<vmem>> -> memref<400xi32, #tpu.memory_space<vmem>>
        %dma_start3A_107 = arith.constant 0 : i32
        %dma_start3A_108 = arith.constant 0 : i32
        %dma_start3A_109 = tpu.memref_slice %arg2[%dma_start3A_107, %dma_start3A_108] : memref<1000000x64xf32, #tpu.memory_space<hbm>> -> memref<1000000x64xf32, #tpu.memory_space<hbm>>
        tpu.enqueue_indirect_dma source(%dma_start3A_109 : memref<1000000x64xf32, #tpu.memory_space<hbm>>) target(%arg8 : memref<400x64xf32, #tpu.memory_space<vmem>>) offsets(%dma_start3A_106 : memref<400xi32, #tpu.memory_space<vmem>>) semaphore(%arg12 : memref<!tpu.dma_semaphore, #tpu.memory_space<semaphore_mem>>)
      } else {
      }
      %mul3A_58 = arith.constant 400 : i32
      %mul3A_59 = arith.muli %add3A_33, %mul3A_58 : i32
      %add3A_60 = arith.addi %mul3A_2, %mul3A_59 : i32
      %dma_start3A_61 = arith.constant 0 : i32
      %dma_start3A_62 = tpu.memref_slice %arg5[%add3A_60, %dma_start3A_61] : memref<204800x64xf32, #tpu.memory_space<hbm>> -> memref<400x64xf32, #tpu.memory_space<hbm>>
      %dma_start3A_63 = arith.constant 0 : i32
      %dma_start3A_64 = tpu.memref_slice %arg5[%add3A_60, %dma_start3A_63] : memref<204800x64xf32, #tpu.memory_space<hbm>> -> memref<400x64xf32, #tpu.memory_space<hbm>>
      tpu.enqueue_dma source(%arg10 : memref<400x64xf32, #tpu.memory_space<vmem>>) target(%dma_start3A_64 : memref<400x64xf32, #tpu.memory_space<hbm>>) target_semaphore(%arg14 : memref<!tpu.dma_semaphore, #tpu.memory_space<semaphore_mem>>)
      %add3A_65 = arith.constant 1 : i32
      %add3A_66 = arith.addi %add3A_31, %add3A_65 : i32
      %dma_wait3A_67 = arith.constant 0 : i32
      %dma_wait3A_68 = arith.constant 0 : i32
      %dma_wait3A_69 = tpu.memref_slice %arg2[%dma_wait3A_67, %dma_wait3A_68] : memref<1000000x64xf32, #tpu.memory_space<hbm>> -> memref<400x64xf32, #tpu.memory_space<hbm>>
      %dma_wait3A_70 = arith.constant 0 : i32
      %dma_wait3A_71 = arith.constant 0 : i32
      %dma_wait3A_72 = tpu.memref_slice %arg2[%dma_wait3A_70, %dma_wait3A_71] : memref<1000000x64xf32, #tpu.memory_space<hbm>> -> memref<400x64xf32, #tpu.memory_space<hbm>>
      tpu.wait_dma2 semaphore(%arg13 : memref<!tpu.dma_semaphore, #tpu.memory_space<semaphore_mem>>) src(%dma_wait3A_72 : memref<400x64xf32, #tpu.memory_space<hbm>>) dst(%arg9 : memref<400x64xf32, #tpu.memory_space<vmem>>)
      %ge3A_73 = arith.constant 2 : i32
      %ge3A_74 = arith.cmpi sge, %add3A_66, %ge3A_73 : i32
      %convert_element_type3A_75 = arith.extui %ge3A_74 : i1 to i32
      %cond3A_76 = arith.constant 0 : i32
      %cond3A_77 = arith.cmpi ne, %convert_element_type3A_75, %cond3A_76 : i32
      scf.if %cond3A_77 {
        %dma_wait3A_102 = arith.constant 0 : i32
        %dma_wait3A_103 = arith.constant 0 : i32
        %dma_wait3A_104 = tpu.memref_slice %arg5[%dma_wait3A_102, %dma_wait3A_103] : memref<204800x64xf32, #tpu.memory_space<hbm>> -> memref<400x64xf32, #tpu.memory_space<hbm>>
        %dma_wait3A_105 = arith.constant 0 : i32
        %dma_wait3A_106 = arith.constant 0 : i32
        %dma_wait3A_107 = tpu.memref_slice %arg5[%dma_wait3A_105, %dma_wait3A_106] : memref<204800x64xf32, #tpu.memory_space<hbm>> -> memref<400x64xf32, #tpu.memory_space<hbm>>
        tpu.wait_dma2 semaphore(%arg15 : memref<!tpu.dma_semaphore, #tpu.memory_space<semaphore_mem>>) src(%arg11 : memref<400x64xf32, #tpu.memory_space<vmem>>) dst(%dma_wait3A_107 : memref<400x64xf32, #tpu.memory_space<hbm>>)
      } else {
      }
      %scan3A_78 = arith.constant 0 : i32
      %scan3A_79 = arith.constant 200 : i32
      %scan3A_80 = arith.addi %scan3A_78, %scan3A_79 : i32
      %scan3A_81 = arith.constant 1 : i32
      scf.for %scan3A_102 = %scan3A_78 to %scan3A_80 step %scan3A_81  : i32 {
        %mul3A_103 = arith.constant 1 : i32
        %mul3A_104 = arith.muli %scan3A_102, %mul3A_103 : i32
        %add3A_105 = arith.constant 0 : i32
        %add3A_106 = arith.addi %add3A_105, %mul3A_104 : i32
        %add3A_107 = arith.constant 0 : i32
        %add3A_108 = arith.addi %add3A_107, %add3A_106 : i32
        %get3A = arith.index_cast %add3A_108 : i32 to index
        %get3A_109 = arith.constant 0 : index
        %get3A_110 = tpu.vector_load %arg9[%get3A, %get3A_109] {strides = array<i32>} : memref<400x64xf32, #tpu.memory_space<vmem>>, vector<1x16xf32>,
        %get3A_111 = vector.shape_cast %get3A_110 : vector<1x16xf32> to vector<16xf32>
        %mul3A_112 = arith.constant 8.000000e+00 : f32
        %mul3A_113 = vector.broadcast %mul3A_112 : f32 to vector<16xf32>
        %mul3A_114 = arith.mulf %get3A_111, %mul3A_113 : vector<16xf32>
        %get3A_115 = arith.index_cast %add3A_106 : i32 to index
        %get3A_116 = arith.constant 0 : index
        %get3A_117 = tpu.vector_load %arg7[%get3A_115, %get3A_116] {strides = array<i32>} : memref<200x64xf32, #tpu.memory_space<vmem>>, vector<1x16xf32>,
        %get3A_118 = vector.shape_cast %get3A_117 : vector<1x16xf32> to vector<16xf32>
        %add3A_119 = arith.addf %mul3A_114, %get3A_118 : vector<16xf32>
        %add3A_120 = arith.constant 0 : i32
        %add3A_121 = arith.addi %add3A_120, %add3A_106 : i32
        %swap3A = arith.index_cast %add3A_121 : i32 to index
        %swap3A_122 = arith.constant 0 : index
        %swap3A_123 = tpu.vector_load %arg11[%swap3A, %swap3A_122] {strides = array<i32>} : memref<400x64xf32, #tpu.memory_space<vmem>>, vector<1x16xf32>,
        %swap3A_124 = vector.shape_cast %swap3A_123 : vector<1x16xf32> to vector<16xf32>
        %swap3A_125 = vector.shape_cast %add3A_119 : vector<16xf32> to vector<1x16xf32>
        tpu.vector_store %arg11[%swap3A, %swap3A_122], %swap3A_125 {strides = array<i32>} : memref<400x64xf32, #tpu.memory_space<vmem>>, vector<1x16xf32>,
        %add3A_126 = arith.constant 0 : i32
        %add3A_127 = arith.addi %add3A_126, %add3A_106 : i32
        %get3A_128 = arith.index_cast %add3A_127 : i32 to index
        %get3A_129 = arith.constant 16 : index
        %get3A_130 = tpu.vector_load %arg9[%get3A_128, %get3A_129] {strides = array<i32>} : memref<400x64xf32, #tpu.memory_space<vmem>>, vector<1x16xf32>,
        %get3A_131 = vector.shape_cast %get3A_130 : vector<1x16xf32> to vector<16xf32>
        %mul3A_132 = arith.constant 8.000000e+00 : f32
        %mul3A_133 = vector.broadcast %mul3A_132 : f32 to vector<16xf32>
        %mul3A_134 = arith.mulf %get3A_131, %mul3A_133 : vector<16xf32>
        %get3A_135 = arith.index_cast %add3A_106 : i32 to index
        %get3A_136 = arith.constant 16 : index
        %get3A_137 = tpu.vector_load %arg7[%get3A_135, %get3A_136] {strides = array<i32>} : memref<200x64xf32, #tpu.memory_space<vmem>>, vector<1x16xf32>,
        %get3A_138 = vector.shape_cast %get3A_137 : vector<1x16xf32> to vector<16xf32>
        %add3A_139 = arith.addf %mul3A_134, %get3A_138 : vector<16xf32>
        %add3A_140 = arith.constant 0 : i32
        %add3A_141 = arith.addi %add3A_140, %add3A_106 : i32
        %swap3A_142 = arith.index_cast %add3A_141 : i32 to index
        %swap3A_143 = arith.constant 16 : index
        %swap3A_144 = tpu.vector_load %arg11[%swap3A_142, %swap3A_143] {strides = array<i32>} : memref<400x64xf32, #tpu.memory_space<vmem>>, vector<1x16xf32>,
        %swap3A_145 = vector.shape_cast %swap3A_144 : vector<1x16xf32> to vector<16xf32>
        %swap3A_146 = vector.shape_cast %add3A_139 : vector<16xf32> to vector<1x16xf32>
        tpu.vector_store %arg11[%swap3A_142, %swap3A_143], %swap3A_146 {strides = array<i32>} : memref<400x64xf32, #tpu.memory_space<vmem>>, vector<1x16xf32>,
        %add3A_147 = arith.constant 0 : i32
        %add3A_148 = arith.addi %add3A_147, %add3A_106 : i32
        %get3A_149 = arith.index_cast %add3A_148 : i32 to index
        %get3A_150 = arith.constant 32 : index
        %get3A_151 = tpu.vector_load %arg9[%get3A_149, %get3A_150] {strides = array<i32>} : memref<400x64xf32, #tpu.memory_space<vmem>>, vector<1x16xf32>,
        %get3A_152 = vector.shape_cast %get3A_151 : vector<1x16xf32> to vector<16xf32>
        %mul3A_153 = arith.constant 8.000000e+00 : f32
        %mul3A_154 = vector.broadcast %mul3A_153 : f32 to vector<16xf32>
        %mul3A_155 = arith.mulf %get3A_152, %mul3A_154 : vector<16xf32>
        %get3A_156 = arith.index_cast %add3A_106 : i32 to index
        %get3A_157 = arith.constant 32 : index
        %get3A_158 = tpu.vector_load %arg7[%get3A_156, %get3A_157] {strides = array<i32>} : memref<200x64xf32, #tpu.memory_space<vmem>>, vector<1x16xf32>,
        %get3A_159 = vector.shape_cast %get3A_158 : vector<1x16xf32> to vector<16xf32>
        %add3A_160 = arith.addf %mul3A_155, %get3A_159 : vector<16xf32>
        %add3A_161 = arith.constant 0 : i32
        %add3A_162 = arith.addi %add3A_161, %add3A_106 : i32
        %swap3A_163 = arith.index_cast %add3A_162 : i32 to index
        %swap3A_164 = arith.constant 32 : index
        %swap3A_165 = tpu.vector_load %arg11[%swap3A_163, %swap3A_164] {strides = array<i32>} : memref<400x64xf32, #tpu.memory_space<vmem>>, vector<1x16xf32>,
        %swap3A_166 = vector.shape_cast %swap3A_165 : vector<1x16xf32> to vector<16xf32>
        %swap3A_167 = vector.shape_cast %add3A_160 : vector<16xf32> to vector<1x16xf32>
        tpu.vector_store %arg11[%swap3A_163, %swap3A_164], %swap3A_167 {strides = array<i32>} : memref<400x64xf32, #tpu.memory_space<vmem>>, vector<1x16xf32>,
        %add3A_168 = arith.constant 0 : i32
        %add3A_169 = arith.addi %add3A_168, %add3A_106 : i32
        %get3A_170 = arith.index_cast %add3A_169 : i32 to index
        %get3A_171 = arith.constant 48 : index
        %get3A_172 = tpu.vector_load %arg9[%get3A_170, %get3A_171] {strides = array<i32>} : memref<400x64xf32, #tpu.memory_space<vmem>>, vector<1x16xf32>,
        %get3A_173 = vector.shape_cast %get3A_172 : vector<1x16xf32> to vector<16xf32>
        %mul3A_174 = arith.constant 8.000000e+00 : f32
        %mul3A_175 = vector.broadcast %mul3A_174 : f32 to vector<16xf32>
        %mul3A_176 = arith.mulf %get3A_173, %mul3A_175 : vector<16xf32>
        %get3A_177 = arith.index_cast %add3A_106 : i32 to index
        %get3A_178 = arith.constant 48 : index
        %get3A_179 = tpu.vector_load %arg7[%get3A_177, %get3A_178] {strides = array<i32>} : memref<200x64xf32, #tpu.memory_space<vmem>>, vector<1x16xf32>,
        %get3A_180 = vector.shape_cast %get3A_179 : vector<1x16xf32> to vector<16xf32>
        %add3A_181 = arith.addf %mul3A_176, %get3A_180 : vector<16xf32>
        %add3A_182 = arith.constant 0 : i32
        %add3A_183 = arith.addi %add3A_182, %add3A_106 : i32
        %swap3A_184 = arith.index_cast %add3A_183 : i32 to index
        %swap3A_185 = arith.constant 48 : index
        %swap3A_186 = tpu.vector_load %arg11[%swap3A_184, %swap3A_185] {strides = array<i32>} : memref<400x64xf32, #tpu.memory_space<vmem>>, vector<1x16xf32>,
        %swap3A_187 = vector.shape_cast %swap3A_186 : vector<1x16xf32> to vector<16xf32>
        %swap3A_188 = vector.shape_cast %add3A_181 : vector<16xf32> to vector<1x16xf32>
        tpu.vector_store %arg11[%swap3A_184, %swap3A_185], %swap3A_188 {strides = array<i32>} : memref<400x64xf32, #tpu.memory_space<vmem>>, vector<1x16xf32>,
      }
      %scan3A_82 = arith.constant 200 : i32
      %scan3A_83 = arith.constant 0 : i32
      %scan3A_84 = arith.constant 200 : i32
      %scan3A_85 = arith.addi %scan3A_83, %scan3A_84 : i32
      %scan3A_86 = arith.constant 1 : i32
      scf.for %scan3A_102 = %scan3A_83 to %scan3A_85 step %scan3A_86  : i32 {
        %mul3A_103 = arith.constant 1 : i32
        %mul3A_104 = arith.muli %scan3A_102, %mul3A_103 : i32
        %add3A_105 = arith.constant 0 : i32
        %add3A_106 = arith.addi %add3A_105, %mul3A_104 : i32
        %add3A_107 = arith.constant 200 : i32
        %add3A_108 = arith.addi %add3A_107, %add3A_106 : i32
        %get3A = arith.index_cast %add3A_108 : i32 to index
        %get3A_109 = arith.constant 0 : index
        %get3A_110 = tpu.vector_load %arg9[%get3A, %get3A_109] {strides = array<i32>} : memref<400x64xf32, #tpu.memory_space<vmem>>, vector<1x16xf32>,
        %get3A_111 = vector.shape_cast %get3A_110 : vector<1x16xf32> to vector<16xf32>
        %mul3A_112 = arith.constant 8.000000e+00 : f32
        %mul3A_113 = vector.broadcast %mul3A_112 : f32 to vector<16xf32>
        %mul3A_114 = arith.mulf %get3A_111, %mul3A_113 : vector<16xf32>
        %get3A_115 = arith.index_cast %add3A_106 : i32 to index
        %get3A_116 = arith.constant 0 : index
        %get3A_117 = tpu.vector_load %arg7[%get3A_115, %get3A_116] {strides = array<i32>} : memref<200x64xf32, #tpu.memory_space<vmem>>, vector<1x16xf32>,
        %get3A_118 = vector.shape_cast %get3A_117 : vector<1x16xf32> to vector<16xf32>
        %add3A_119 = arith.addf %mul3A_114, %get3A_118 : vector<16xf32>
        %add3A_120 = arith.constant 200 : i32
        %add3A_121 = arith.addi %add3A_120, %add3A_106 : i32
        %swap3A = arith.index_cast %add3A_121 : i32 to index
        %swap3A_122 = arith.constant 0 : index
        %swap3A_123 = tpu.vector_load %arg11[%swap3A, %swap3A_122] {strides = array<i32>} : memref<400x64xf32, #tpu.memory_space<vmem>>, vector<1x16xf32>,
        %swap3A_124 = vector.shape_cast %swap3A_123 : vector<1x16xf32> to vector<16xf32>
        %swap3A_125 = vector.shape_cast %add3A_119 : vector<16xf32> to vector<1x16xf32>
        tpu.vector_store %arg11[%swap3A, %swap3A_122], %swap3A_125 {strides = array<i32>} : memref<400x64xf32, #tpu.memory_space<vmem>>, vector<1x16xf32>,
        %add3A_126 = arith.constant 200 : i32
        %add3A_127 = arith.addi %add3A_126, %add3A_106 : i32
        %get3A_128 = arith.index_cast %add3A_127 : i32 to index
        %get3A_129 = arith.constant 16 : index
        %get3A_130 = tpu.vector_load %arg9[%get3A_128, %get3A_129] {strides = array<i32>} : memref<400x64xf32, #tpu.memory_space<vmem>>, vector<1x16xf32>,
        %get3A_131 = vector.shape_cast %get3A_130 : vector<1x16xf32> to vector<16xf32>
        %mul3A_132 = arith.constant 8.000000e+00 : f32
        %mul3A_133 = vector.broadcast %mul3A_132 : f32 to vector<16xf32>
        %mul3A_134 = arith.mulf %get3A_131, %mul3A_133 : vector<16xf32>
        %get3A_135 = arith.index_cast %add3A_106 : i32 to index
        %get3A_136 = arith.constant 16 : index
        %get3A_137 = tpu.vector_load %arg7[%get3A_135, %get3A_136] {strides = array<i32>} : memref<200x64xf32, #tpu.memory_space<vmem>>, vector<1x16xf32>,
        %get3A_138 = vector.shape_cast %get3A_137 : vector<1x16xf32> to vector<16xf32>
        %add3A_139 = arith.addf %mul3A_134, %get3A_138 : vector<16xf32>
        %add3A_140 = arith.constant 200 : i32
        %add3A_141 = arith.addi %add3A_140, %add3A_106 : i32
        %swap3A_142 = arith.index_cast %add3A_141 : i32 to index
        %swap3A_143 = arith.constant 16 : index
        %swap3A_144 = tpu.vector_load %arg11[%swap3A_142, %swap3A_143] {strides = array<i32>} : memref<400x64xf32, #tpu.memory_space<vmem>>, vector<1x16xf32>,
        %swap3A_145 = vector.shape_cast %swap3A_144 : vector<1x16xf32> to vector<16xf32>
        %swap3A_146 = vector.shape_cast %add3A_139 : vector<16xf32> to vector<1x16xf32>
        tpu.vector_store %arg11[%swap3A_142, %swap3A_143], %swap3A_146 {strides = array<i32>} : memref<400x64xf32, #tpu.memory_space<vmem>>, vector<1x16xf32>,
        %add3A_147 = arith.constant 200 : i32
        %add3A_148 = arith.addi %add3A_147, %add3A_106 : i32
        %get3A_149 = arith.index_cast %add3A_148 : i32 to index
        %get3A_150 = arith.constant 32 : index
        %get3A_151 = tpu.vector_load %arg9[%get3A_149, %get3A_150] {strides = array<i32>} : memref<400x64xf32, #tpu.memory_space<vmem>>, vector<1x16xf32>,
        %get3A_152 = vector.shape_cast %get3A_151 : vector<1x16xf32> to vector<16xf32>
        %mul3A_153 = arith.constant 8.000000e+00 : f32
        %mul3A_154 = vector.broadcast %mul3A_153 : f32 to vector<16xf32>
        %mul3A_155 = arith.mulf %get3A_152, %mul3A_154 : vector<16xf32>
        %get3A_156 = arith.index_cast %add3A_106 : i32 to index
        %get3A_157 = arith.constant 32 : index
        %get3A_158 = tpu.vector_load %arg7[%get3A_156, %get3A_157] {strides = array<i32>} : memref<200x64xf32, #tpu.memory_space<vmem>>, vector<1x16xf32>,
        %get3A_159 = vector.shape_cast %get3A_158 : vector<1x16xf32> to vector<16xf32>
        %add3A_160 = arith.addf %mul3A_155, %get3A_159 : vector<16xf32>
        %add3A_161 = arith.constant 200 : i32
        %add3A_162 = arith.addi %add3A_161, %add3A_106 : i32
        %swap3A_163 = arith.index_cast %add3A_162 : i32 to index
        %swap3A_164 = arith.constant 32 : index
        %swap3A_165 = tpu.vector_load %arg11[%swap3A_163, %swap3A_164] {strides = array<i32>} : memref<400x64xf32, #tpu.memory_space<vmem>>, vector<1x16xf32>,
        %swap3A_166 = vector.shape_cast %swap3A_165 : vector<1x16xf32> to vector<16xf32>
        %swap3A_167 = vector.shape_cast %add3A_160 : vector<16xf32> to vector<1x16xf32>
        tpu.vector_store %arg11[%swap3A_163, %swap3A_164], %swap3A_167 {strides = array<i32>} : memref<400x64xf32, #tpu.memory_space<vmem>>, vector<1x16xf32>,
        %add3A_168 = arith.constant 200 : i32
        %add3A_169 = arith.addi %add3A_168, %add3A_106 : i32
        %get3A_170 = arith.index_cast %add3A_169 : i32 to index
        %get3A_171 = arith.constant 48 : index
        %get3A_172 = tpu.vector_load %arg9[%get3A_170, %get3A_171] {strides = array<i32>} : memref<400x64xf32, #tpu.memory_space<vmem>>, vector<1x16xf32>,
        %get3A_173 = vector.shape_cast %get3A_172 : vector<1x16xf32> to vector<16xf32>
        %mul3A_174 = arith.constant 8.000000e+00 : f32
        %mul3A_175 = vector.broadcast %mul3A_174 : f32 to vector<16xf32>
        %mul3A_176 = arith.mulf %get3A_173, %mul3A_175 : vector<16xf32>
        %get3A_177 = arith.index_cast %add3A_106 : i32 to index
        %get3A_178 = arith.constant 48 : index
        %get3A_179 = tpu.vector_load %arg7[%get3A_177, %get3A_178] {strides = array<i32>} : memref<200x64xf32, #tpu.memory_space<vmem>>, vector<1x16xf32>,
        %get3A_180 = vector.shape_cast %get3A_179 : vector<1x16xf32> to vector<16xf32>
        %add3A_181 = arith.addf %mul3A_176, %get3A_180 : vector<16xf32>
        %add3A_182 = arith.constant 200 : i32
        %add3A_183 = arith.addi %add3A_182, %add3A_106 : i32
        %swap3A_184 = arith.index_cast %add3A_183 : i32 to index
        %swap3A_185 = arith.constant 48 : index
        %swap3A_186 = tpu.vector_load %arg11[%swap3A_184, %swap3A_185] {strides = array<i32>} : memref<400x64xf32, #tpu.memory_space<vmem>>, vector<1x16xf32>,
        %swap3A_187 = vector.shape_cast %swap3A_186 : vector<1x16xf32> to vector<16xf32>
        %swap3A_188 = vector.shape_cast %add3A_181 : vector<16xf32> to vector<1x16xf32>
        tpu.vector_store %arg11[%swap3A_184, %swap3A_185], %swap3A_188 {strides = array<i32>} : memref<400x64xf32, #tpu.memory_space<vmem>>, vector<1x16xf32>,
      }
      %scan3A_87 = arith.constant 200 : i32
      %add3A_88 = arith.constant 2 : i32
      %add3A_89 = arith.addi %add3A_66, %add3A_88 : i32
      %lt3A_90 = arith.constant 16 : i32
      %lt3A_91 = arith.cmpi slt, %add3A_89, %lt3A_90 : i32
      %convert_element_type3A_92 = arith.extui %lt3A_91 : i1 to i32
      %cond3A_93 = arith.constant 0 : i32
      %cond3A_94 = arith.cmpi ne, %convert_element_type3A_92, %cond3A_93 : i32
      scf.if %cond3A_94 {
        %add3A_102 = arith.constant 2 : i32
        %add3A_103 = arith.addi %add3A_66, %add3A_102 : i32
        %mul3A_104 = arith.constant 400 : i32
        %mul3A_105 = arith.muli %add3A_103, %mul3A_104 : i32
        %dma_start3A_106 = tpu.memref_slice %arg6[%mul3A_105] : memref<6400xi32, #tpu.memory_space<vmem>> -> memref<400xi32, #tpu.memory_space<vmem>>
        %dma_start3A_107 = arith.constant 0 : i32
        %dma_start3A_108 = arith.constant 0 : i32
        %dma_start3A_109 = tpu.memref_slice %arg2[%dma_start3A_107, %dma_start3A_108] : memref<1000000x64xf32, #tpu.memory_space<hbm>> -> memref<1000000x64xf32, #tpu.memory_space<hbm>>
        tpu.enqueue_indirect_dma source(%dma_start3A_109 : memref<1000000x64xf32, #tpu.memory_space<hbm>>) target(%arg9 : memref<400x64xf32, #tpu.memory_space<vmem>>) offsets(%dma_start3A_106 : memref<400xi32, #tpu.memory_space<vmem>>) semaphore(%arg13 : memref<!tpu.dma_semaphore, #tpu.memory_space<semaphore_mem>>)
      } else {
      }
      %mul3A_95 = arith.constant 400 : i32
      %mul3A_96 = arith.muli %add3A_66, %mul3A_95 : i32
      %add3A_97 = arith.addi %mul3A_2, %mul3A_96 : i32
      %dma_start3A_98 = arith.constant 0 : i32
      %dma_start3A_99 = tpu.memref_slice %arg5[%add3A_97, %dma_start3A_98] : memref<204800x64xf32, #tpu.memory_space<hbm>> -> memref<400x64xf32, #tpu.memory_space<hbm>>
      %dma_start3A_100 = arith.constant 0 : i32
      %dma_start3A_101 = tpu.memref_slice %arg5[%add3A_97, %dma_start3A_100] : memref<204800x64xf32, #tpu.memory_space<hbm>> -> memref<400x64xf32, #tpu.memory_space<hbm>>
      tpu.enqueue_dma source(%arg11 : memref<400x64xf32, #tpu.memory_space<vmem>>) target(%dma_start3A_101 : memref<400x64xf32, #tpu.memory_space<hbm>>) target_semaphore(%arg15 : memref<!tpu.dma_semaphore, #tpu.memory_space<semaphore_mem>>)
    }
    %scan3A_15 = arith.constant 8 : i32
    %dma_wait3A = arith.constant 0 : i32
    %dma_wait3A_16 = arith.constant 0 : i32
    %dma_wait3A_17 = tpu.memref_slice %arg5[%dma_wait3A, %dma_wait3A_16] : memref<204800x64xf32, #tpu.memory_space<hbm>> -> memref<400x64xf32, #tpu.memory_space<hbm>>
    %dma_wait3A_18 = arith.constant 0 : i32
    %dma_wait3A_19 = arith.constant 0 : i32
    %dma_wait3A_20 = tpu.memref_slice %arg5[%dma_wait3A_18, %dma_wait3A_19] : memref<204800x64xf32, #tpu.memory_space<hbm>> -> memref<400x64xf32, #tpu.memory_space<hbm>>
    tpu.wait_dma2 semaphore(%arg14 : memref<!tpu.dma_semaphore, #tpu.memory_space<semaphore_mem>>) src(%arg10 : memref<400x64xf32, #tpu.memory_space<vmem>>) dst(%dma_wait3A_20 : memref<400x64xf32, #tpu.memory_space<hbm>>)
    %dma_wait3A_21 = arith.constant 0 : i32
    %dma_wait3A_22 = arith.constant 0 : i32
    %dma_wait3A_23 = tpu.memref_slice %arg5[%dma_wait3A_21, %dma_wait3A_22] : memref<204800x64xf32, #tpu.memory_space<hbm>> -> memref<400x64xf32, #tpu.memory_space<hbm>>
    %dma_wait3A_24 = arith.constant 0 : i32
    %dma_wait3A_25 = arith.constant 0 : i32
    %dma_wait3A_26 = tpu.memref_slice %arg5[%dma_wait3A_24, %dma_wait3A_25] : memref<204800x64xf32, #tpu.memory_space<hbm>> -> memref<400x64xf32, #tpu.memory_space<hbm>>
    tpu.wait_dma2 semaphore(%arg15 : memref<!tpu.dma_semaphore, #tpu.memory_space<semaphore_mem>>) src(%arg11 : memref<400x64xf32, #tpu.memory_space<vmem>>) dst(%dma_wait3A_26 : memref<400x64xf32, #tpu.memory_space<hbm>>)
    return
  }
}

</mosaic_0001>

<sc_bundles>
// kernel: kernel.3.cloned.1.call-start
scs
__scs_entry_jumppad:
0x0: {  	(pc) =	sbr.rel $0x88, $3  }
0x1: {  	(tag) =	ssettag $0x0;
	lr =	simm.s32 $0x1  }
0x2: {  	[smem:$0x3F9F] =	sst lr;
	_ =	strace $0xD0000000  }
0x3: {  	_ = 	snop  }
0x4: {  	_ = 	snop  }
0x5: {  	_ = 	snop  }
0x6: {  	_ = 	snop  }
0x7: {  	_ = 	snop  }
__scs_overlays_trampoline_lowered:
0x8: {  	[smem:$0x3FAE] =	sst s0  }
0x9: {  	[smem:$0x3FAF] =	sst s1  }
0xa: {  	[smem:$0x3FB0] =	sst s2  }
0xb: {  	[smem:$0x3FB1] =	sst s3  }
0xc: {  	[smem:$0x3FB2] =	sst s4  }
0xd: {  	[smem:$0x3FB3] =	sst s5  }
0xe: {  	[smem:$0x3FB4] =	sst s6  }
0xf: {  	[smem:$0x3FB5] =	sst s7  }
0x10: {  	[smem:$0x3FB6] =	sst s8  }
0x11: {  	[smem:$0x3FB7] =	sst s9;
	s0 =	simm.s32 @!p0 $0x0  }
0x12: {  	s1 =	sld [smem:$0x3F9D];
	s0 =	simm.s32 @p0 $0x1  }
0x13: {  	[smem:$0x3FB8] =	sst s0;
	s0 =	simm.s32 @!p1 $0x0  }
0x14: {  	s2 =	sld [smem:$0x3F9C];
	s0 =	simm.s32 @p1 $0x1  }
0x15: {  	[smem:$0x3FB9] =	sst s0;
	s0 =	simm.s32 @!p2 $0x0  }
0x16: {  	s3 =	sld [smem:$0x3FDB];
	s0 =	simm.s32 @p2 $0x1  }
0x17: {  	s4 =	simm.s32 $0x1BF5;
	[smem:$0x3FBB] =	sst s0  }
0x18: {  	s0 =	sld [smem:$0x3F9E];
	_ =	swait.ge [sflag:s4], $0x0  }
0x19: {  	s7 =	sld [smem:$0x3F9F]  }
0x1a: {  	s8 =	sadd.s32 $0xFFFFE003, lr  }
0x1b: {  	s9 =	sadd.s32 $0xFFFFFEF7, lr;
	s5 =	simm.s32 $0xFFFFFFFF;
	p2 =	slt.u32 s8, $0xFFFFF086  }
0x1c: {  	p1 =	slt.u32 s9, $0xF7A;
	s5 =	simm.s32 @!p2 $0x0  }
0x1d: {  	s5 =	simm.s32 @p1 $0x1;
	p0 =	seq.s32 s7, s2  }
0x1e: {  	s7 =	smul.u32 @!p0 $0xF7A, s2;
	p2 =	seq.s32 @!p0 s5, $0x0  }
0x1f: {  	s9 =	smul.u32 $0xF7A, s1;
	s8 =	simm.s32 @!p0 $0x1BF5;
	p2 =	por !p2, p0  }
0x20: {  	[sflag:s8] =	ssyncset.s32 @!p0 $0xFFFFF086;
	s6 =	sadd.s32 @!p0 s3, s7;
	s7 =	simm.s32 @!p0 $0x108  }
0x21: {  	s3 =	sadd.s32 s3, s9;
	s6 =	sadd.s32 @!p0 $0x88, s6;
	s7 =	simm.s32 @p2 $0x1082  }
0x22: {  	[simem:s7], [sflag:s8] =	dma.local @!p0 [hbm:s6], $0xF7A  }
0x23: {  	s9 =	sor.u32 $0xD0000000, s2;
	s6 =	simm.s32 $0x108;
	_ =	swait.ge @!p0 [sflag:s8], $0x0  }
0x24: {  	s3 =	sadd.s32 $0x88, s3;
	s6 =	simm.s32 @!p1 $0x1082;
	[sflag:s4] =	ssyncset.s32 $0xFFFFF086  }
0x25: {  	[simem:s6], [sflag:s4] =	dma.local [hbm:s3], $0xF7A  }
0x26: {  	[smem:$0x3F9F] =	sst s1;
	(tag) =	ssettag s2;
	_ =	strace s9  }
0x27: {  	s1 =	sld [smem:$0x3FAF]  }
0x28: {  	s2 =	sld [smem:$0x3FB0]  }
0x29: {  	s4 =	sld [smem:$0x3FB2]  }
0x2a: {  	p0 =	seq.s32 s5, $0x0;
	s5 =	sld [smem:$0x3FB3]  }
0x2b: {  	s6 =	sld [smem:$0x3FB4]  }
0x2c: {  	s7 =	sld [smem:$0x3FB5]  }
0x2d: {  	s3 =	simm.s32 $0x108;
	s8 =	sld [smem:$0x3FB6]  }
0x2e: {  	s3 =	simm.s32 @!p0 $0x1082;
	s9 =	sld [smem:$0x3FB7]  }
0x2f: {  	lr =	sadd.s32 s0, s3;
	s0 =	sld [smem:$0x3FAE]  }
0x30: {  	s3 =	sld [smem:$0x3FB1]  }
0x31: {  	[smem:$0x3FBA] =	sst s10  }
0x32: {  	s10 =	sld [smem:$0x3FB8];
	_ =	sdelay $0x3  }
0x33: {  	p0 =	seq.s32 s10, $0x1;
	s10 =	sld [smem:$0x3FBA];
	_ =	sdelay $0x3  }
0x34: {  	[smem:$0x3FBA] =	sst s10  }
0x35: {  	s10 =	sld [smem:$0x3FB9];
	_ =	sdelay $0x3  }
0x36: {  	p1 =	seq.s32 s10, $0x1;
	s10 =	sld [smem:$0x3FBA];
	_ =	sdelay $0x3  }
0x37: {  	[smem:$0x3FBA] =	sst s10  }
0x38: {  	s10 =	sld [smem:$0x3FBB]  }
0x39: {  	_ = 	snop;
	(pc) =	sbr.ind lr, $3  }
0x3a: {  	_ = 	snop  }
0x3b: {  	_ = 	snop  }
0x3c: {  	p2 =	seq.s32 s10, $0x1;
	s10 =	sld [smem:$0x3FBA]  }
0x3d: {  	_ =	shalt  }
0x3e: {  	_ =	shalt  }
0x3f: {  	_ =	shalt  }
0x40: {  	_ =	shalt  }
0x41: {  	_ =	shalt  }
0x42: {  	_ =	shalt  }
0x43: {  	_ =	shalt  }
0x44: {  	_ =	shalt  }
0x45: {  	_ =	shalt  }
0x46: {  	_ =	shalt  }
0x47: {  	_ =	shalt  }
0x48: {  	_ =	shalt  }
0x49: {  	_ =	shalt  }
0x4a: {  	_ =	shalt  }
0x4b: {  	_ =	shalt  }
0x4c: {  	_ =	shalt  }
0x4d: {  	_ =	shalt  }
0x4e: {  	_ =	shalt  }
0x4f: {  	_ =	shalt  }
0x50: {  	_ =	shalt  }
0x51: {  	_ =	shalt  }
0x52: {  	_ =	shalt  }
0x53: {  	_ =	shalt  }
0x54: {  	_ =	shalt  }
0x55: {  	_ =	shalt  }
0x56: {  	_ =	shalt  }
0x57: {  	_ =	shalt  }
0x58: {  	_ =	shalt  }
0x59: {  	_ =	shalt  }
0x5a: {  	_ =	shalt  }
0x5b: {  	_ =	shalt  }
0x5c: {  	_ =	shalt  }
0x5d: {  	_ =	shalt  }
0x5e: {  	_ =	shalt  }
0x5f: {  	_ =	shalt  }
0x60: {  	_ =	shalt  }
0x61: {  	_ =	shalt  }
0x62: {  	_ =	shalt  }
0x63: {  	_ =	shalt  }
0x64: {  	_ =	shalt  }
0x65: {  	_ =	shalt  }
0x66: {  	_ =	shalt  }
0x67: {  	_ =	shalt  }
0x68: {  	_ =	shalt  }
0x69: {  	_ =	shalt  }
0x6a: {  	_ =	shalt  }
0x6b: {  	_ =	shalt  }
0x6c: {  	_ =	shalt  }
0x6d: {  	_ =	shalt  }
0x6e: {  	_ =	shalt  }
0x6f: {  	_ =	shalt  }
0x70: {  	_ =	shalt  }
0x71: {  	_ =	shalt  }
0x72: {  	_ =	shalt  }
0x73: {  	_ =	shalt  }
0x74: {  	_ =	shalt  }
0x75: {  	_ =	shalt  }
0x76: {  	_ =	shalt  }
0x77: {  	_ =	shalt  }
0x78: {  	_ =	shalt  }
0x79: {  	_ =	shalt  }
0x7a: {  	_ =	shalt  }
0x7b: {  	_ =	shalt  }
0x7c: {  	_ =	shalt  }
0x7d: {  	_ =	shalt  }
0x7e: {  	_ =	shalt  }
0x7f: {  	_ =	shalt  }
0x80: {  	_ =	shalt  }
0x81: {  	_ =	shalt  }
0x82: {  	_ =	shalt  }
0x83: {  	_ =	shalt  }
0x84: {  	_ =	shalt  }
0x85: {  	_ =	shalt  }
0x86: {  	_ =	shalt  }
0x87: {  	_ =	shalt  }
.Lfunc_end0:
.L_simem_size_0:
called_computation.1_lowered:
.L_overlay_start_0:
0x88: {  	s2 =	sld [smem:$0x3FD9]  }
0x89: {  	s3 =	sld [smem:$0x3FFE];
	_ =	sdelay $0x1  }
0x8a: {  	s1 =	srdreg.scid  }
0x8b: {  	s0 =	sand.u32 $0x1, s1  }
0x8c: {  	s17 =	sshll.u32 s0, $0xA;
	s2 =	sadd.s32 s3, s2  }
0x8d: {  	s2 =	sadd.s32 s2, s17  }
0x8e: {  	[smem:$0x3FC6] =	sst s2  }
0x8f: {  	_ = 	snop  }
0x90: {  	s2 =	sld [smem:$0x3FD0];
	(tm) =	ssettm $0x1  }
0x91: {  	s18 =	sld [smem:$0x3FFB];
	_ =	sdelay $0x3  }
0x92: {  	_ =	strace s18  }
0x93: {  	s3 =	sld [smem:$0x3FFC];
	_ =	sdelay $0x3  }
0x94: {  	_ =	strace s3  }
0x95: {  	s3 =	sld [smem:$0x3FFD];
	_ =	sdelay $0x3  }
0x96: {  	_ =	strace s3  }
0x97: {  	_ =	strace $0x8FFFFFFF  }
0x98: {  	s19 =	sld [smem:$0x3FDB];
	_ =	sdelay $0x1  }
0x99: {  	s4 =	simm.s32 $_scs_section_size  }
0x9a: {  	s5 =	simm.s32 $_size__tile_overlayer_lowered;
	s6 =	simm.s32 $_tile_overlayer_lowered  }
0x9b: {  	s22 =	simm.s32 $0x1BFF;
	s21 =	sshll.u32 s6, $0x1;
	s3 =	sadd.s32 s4, s19  }
0x9c: {  	s7 =	simm.s32 $0x0;
	s20 =	sshll.u32 s5, $0x1;
	s5 =	sadd.s32 s21, s3  }
0x9d: {  	[timem:s7], [sflag:s22] =	dma.local [hbm:s5], s20  }
0x9e: {  	_ =	swait.ge [sflag:s22], s20  }
0x9f: {  	s4 =	ssub.s32 $0x0, s20;
	[sflag:s22] =	ssyncset.done $0x0  }
0xa0: {  	[sflag:s22] =	ssyncadd.s32 s4;
	_ =	sdelay $0x1  }
0xa1: {  	s23 =	simm.s32 $0x1B8B  }
0xa2: {  	_ =	swait.ge [sflag:s23], $0x1  }
0xa3: {  	[sflag:s23] =	ssyncset.done $0x0  }
0xa4: {  	s25 =	simm.s32 $0x1B8E;
	s24 =	sld [smem:$0x3FFE];
	[sflag:s23] =	ssyncadd.s32 $0xFFFFFFFF  }
0xa5: {  	s26 =	simm.s32 $execute0_lowered;
	[smem:$0x3FD2] =	sst s25  }
0xa6: {  	s5 =	sshll.u32 s26, $0x1;
	_ =	strace $0x80000046;
	[dreg:$0x1] =	wrdreg $0xFFFFFFFF  }
0xa7: {  	s28 =	simm.s32 $_size_execute0_lowered;
	s3 =	sadd.s32 s3, s5;
	[dreg:$0x0] =	wrdreg $0x0  }
0xa8: {  	s5 =	sshll.u32 s28, $0x1;
	[dreg:$0x2] =	wrdreg s3  }
0xa9: {  	[dreg:$0x3] =	wrdreg s5  }
0xaa: {  	[dreg:$0x4] =	wrdreg $0xC0  }
0xab: {  	_ =	task [dreg:s7], $0x5FFFF  }
0xac: {  	[dreg:$0x1] =	wrdreg $0xFFFFFFFF  }
0xad: {  	[dreg:$0x0] =	wrdreg $0x60  }
0xae: {  	[dreg:$0x2] =	wrdreg s24  }
0xaf: {  	[dreg:$0x3] =	wrdreg s2  }
0xb0: {  	[dreg:$0x4] =	wrdreg $0x9  }
0xb1: {  	_ =	task.clear_ibuf [dreg:s7], $0x5FFFF;
	_ =	strace $0x90000046  }
0xb2: {  	s29 =	simm.s32 $0x9;
	_ =	strace $0x80000048  }
0xb3: {  	_ =	swait.ge [sflag:s29], $0x1  }
0xb4: {  	[sflag:s29] =	ssyncadd.s32 $0xFFFFFFFF  }
0xb5: {  	_ =	strace $0x90000048  }
0xb6: {  	_ =	sfence  }
0xb7: {  	s30 =	sld [smem:$0x0];
	_ =	sdelay $0x2  }
0xb8: {  	s31 =	sshll.u32 s1, $0xD;
	s1 =	sshrl.u32 s1, $0x2  }
0xb9: {  	s3 =	sand.u32 $0x4000, s31;
	s1 =	sadd.s32 s1, s30  }
0xba: {  	s0 =	sor.u32 s3, s0;
	s1 =	sshll.u32 s1, $0x11  }
0xbb: {  	s0 =	sor.u32 s1, s0  }
0xbc: {  	s0 =	sadd.s32 $0x8F2B, s0  }
0xbd: {  	[sflag:s0] =	ssyncadd.remote.s32 $0x1  }
0xbe: {  	_ =	sfence.sel $0xFFFF  }
0xbf: {  	[dreg:$0x0] =	wrdreg $0xFFFFFFFF;
	(pc) =	sbr.abs _section_cstart, $3  }
0xc0: {  	[dreg:$0x1] =	wrdreg $0xFFFFFFFF  }
0xc1: {  	_ =	task.clear_ibuf [dreg:s7], $0x2FFFF;
	_ =	strace $0x9FFFFFFF  }
0xc2: {  	(tm) =	ssettm $0x7FFFFFFF  }
0xc3: {  	_ =	shalt  }
tec
execute0_lowered:
.L_overlay_start_1:
0x0: {  	(tag) =	ssettag $0x1  }
0x1: {  	s6 =	rddreg [dreg:$0x0];
	s1 =	srdreg.scid  }
0x2: {  	s0 =	stileid.u32;
	s2 =	rddreg [dreg:$0x1]  }
0x3: {  	s3 =	simm.s32 $0x0;
	s10 =	simm.s32 $0x5;
	s11 =	simm.s32 $0x1900  }
0x4: {  	s12 =	simm.s32 $0x190;
	s13 =	simm.s32 $0x4B00;
	s14 =	simm.s32 $0xAF00  }
0x5: {  	s15 =	simm.s32 $0x1;
	s16 =	simm.s32 $0x11300;
	s17 =	simm.s32 $0x2  }
0x6: {  	s18 =	simm.s32 $0x17700;
	s5 =	sand.u32 $0x1, s1;
	s4 =	sshll.u32 s0, $0x1  }
0x7: {  	s19 =	simm.s32 $0x3;
	s20 =	simm.s32 $0x4;
	s4 =	sor.u32 s5, s4  }
0x8: {  	s1 =	rddreg [dreg:$0x2];
	s7 =	ssub.s32 $0x2, s5;
	s4 =	smul.u32 $0x1900, s4  }
0x9: {  	s21 =	simm.s32 $0x0;
	[smem:$0x7FF] =	sst s3;
	s9 =	sshrl.u32 s7, $0x1  }
0xa: {  	_ =	strace $0x80000047;
	s9 =	ssub.s32 s7, s9;
	s8 =	sshrl.u32 s4, $0x3  }
0xb: {  	s5 =	sadd.s32 $0xF43000, s6;
	s9 =	smax.u32 s9, $0x1;
	s8 =	sadd.s32 s8, s6  }
0xc: {  	s6 =	sadd.s32 $0x7000, s6;
	s7 =	sadd.s32 $0xC00, s8;
	s8 =	sadd.s32 $0x190, s4  }
.LBB2_1:
0xd: {  	[tilespmem:s3], [sflag:$0x5] =	stream.linear.gather [hbm4b:s7+s3], $0x1900, $0x38;
	[tilespmem:$0x1DB00] =	vst v63  }
0xe: {  	_ =	swait.ge [sflag:s10], $0x1900  }
0xf: {  	[sflag:s10] =	ssyncset.done $0x0  }
0x10: {  	[sflag:s10] =	ssyncadd.s32 $0xFFFFE700  }
0x11: {  	[tilespmem:s11], [sflag:$0x5] =	stream.linear.gather [hbm4b:s6+s3], $0x3200, $0x38;
	[tilespmem:$0x1DB00] =	vst v63  }
0x12: {  	_ =	swait.ge [sflag:s10], $0x3200  }
0x13: {  	[sflag:s10] =	ssyncset.done $0x0  }
0x14: {  	[sflag:s10] =	ssyncadd.s32 $0xFFFFCE00  }
0x15: {  	[tilespmem:s13], [sflag:$0x1] =	stream.indirect.gather [hbm4b:s5+s12], $0x40, s3, s12, $0xb8;
	[tilespmem:$0x1DB00] =	vst v63  }
0x16: {  	s22 =	simm.s32 $0x0  }
0x17: {  	[tilespmem:s14], [sflag:$0x2] =	stream.indirect.gather [hbm4b:s5+s12], $0x40, s12, s12, $0xb8;
	[tilespmem:$0x1DB00] =	vst v63  }
.LBB2_2:
0x18: {  	_ =	swait.ge [sflag:s15], $0x6400  }
0x19: {  	p1 =	seq.s32 s22, $0x0;
	[sflag:s15] =	ssyncset.done $0x0  }
0x1a: {  	s23 =	simm.s32 @!p1 $0x3;
	[sflag:s15] =	ssyncadd.s32 $0xFFFF9C00  }
0x1b: {  	_ =	swait.ge @!p1 [sflag:s23], $0x6400  }
0x1c: {  	[sflag:s23] =	ssyncset.done @!p1 $0x0  }
0x1d: {  	[sflag:s23] =	ssyncadd.s32 @!p1 $0xFFFF9C00;
	s23 =	simm.s32 $0x0  }
0x1e: {  	v3 =	vld [tilespmem:s23+$0x4B30]  }
0x1f: {  	v4 =	vld [tilespmem:s23+$0x4B00]  }
0x20: {  	v6 =	vld [tilespmem:s23+$0x1930]  }
0x21: {  	v1 =	vld [tilespmem:s23+$0x4B10]  }
0x22: {  	v0 =	vld [tilespmem:s23+$0x4B20]  }
0x23: {  	v2 =	vld [tilespmem:s23+$0x1900];
	v7 =	vmul.f32 $8.000000000e+00, v3  }
0x24: {  	v3 =	vld [tilespmem:s23+$0x1910]  }
0x25: {  	s24 =	simm.s32 $0x40;
	s26 =	simm.s32 $0x200;
	s25 =	simm.s32 $0x0;
	v5 =	vmul.f32 $8.000000000e+00, v4;
	v4 =	vld [tilespmem:s23+$0x1920];
	v6 =	vadd.f32 v6, v7  }
.LBB2_3:
0x26: {  	p0 =	sne.s32 s26, $0xC700;
	v7 =	vld [tilespmem:s24+$0x4B30];
	v8 =	vmul.f32 $8.000000000e+00, v1  }
0x27: {  	v9 =	vld [tilespmem:s24+$0x4B00];
	v10 =	vmul.f32 $8.000000000e+00, v0;
	[tilespmem:s25+$0x11330] =	vst v6  }
0x28: {  	v6 =	vld [tilespmem:s24+$0x1930];
	v2 =	vadd.f32 v2, v5  }
.Ltmp0:
0x29: {  	v1 =	vld [tilespmem:s24+$0x4B10];
	v3 =	vadd.f32 v3, v8;
	(pc) =	sbr.rel @p0 .LBB2_3-.Ltmp0, $4  }
0x2a: {  	v0 =	vld [tilespmem:s24+$0x4B20];
	[tilespmem:s25+$0x11300] =	vst v2;
	v4 =	vadd.f32 v4, v10  }
0x2b: {  	v2 =	vld [tilespmem:s24+$0x1900];
	v7 =	vmul.f32 $8.000000000e+00, v7;
	[tilespmem:s25+$0x11310] =	vst v3  }
0x2c: {  	v5 =	vmul.f32 $8.000000000e+00, v9;
	v3 =	vld [tilespmem:s24+$0x1910];
	[tilespmem:s25+$0x11320] =	vst v4;
	s25 =	smov.u32 s24  }
0x2d: {  	s24 =	sshra.s32 s26, $0x2;
	s26 =	sadd.s32 $0x100, s26;
	v4 =	vld [tilespmem:s25+$0x1920];
	v6 =	vadd.f32 v6, v7  }
0x2e: {  	v7 =	vld [tilespmem:s24+$0x4B30]  }
0x2f: {  	v8 =	vld [tilespmem:s24+$0x4B00];
	v1 =	vmul.f32 $8.000000000e+00, v1;
	[tilespmem:s25+$0x11330] =	vst v6  }
0x30: {  	v0 =	vmul.f32 $8.000000000e+00, v0;
	v6 =	vld [tilespmem:s24+$0x1930];
	v2 =	vadd.f32 v2, v5  }
0x31: {  	v5 =	vld [tilespmem:s24+$0x4B10];
	v1 =	vadd.f32 v3, v1  }
0x32: {  	v9 =	vld [tilespmem:s24+$0x4B20];
	[tilespmem:s25+$0x11300] =	vst v2;
	v0 =	vadd.f32 v4, v0  }
0x33: {  	v2 =	vld [tilespmem:s24+$0x1900];
	[tilespmem:s25+$0x11310] =	vst v1  }
0x34: {  	v1 =	vld [tilespmem:s24+$0x1910];
	[tilespmem:s25+$0x11320] =	vst v0  }
0x35: {  	v0 =	vmul.f32 $8.000000000e+00, v7;
	v3 =	vld [tilespmem:s24+$0x1920]  }
0x36: {  	v4 =	vmul.f32 $8.000000000e+00, v8  }
0x37: {  	v5 =	vmul.f32 $8.000000000e+00, v5;
	v0 =	vadd.f32 v6, v0  }
0x38: {  	v6 =	vmul.f32 $8.000000000e+00, v9;
	v2 =	vadd.f32 v2, v4  }
0x39: {  	[tilespmem:s24+$0x11330] =	vst v0;
	v0 =	vadd.f32 v1, v5  }
0x3a: {  	[tilespmem:s24+$0x11300] =	vst v2;
	v1 =	vadd.f32 v3, v6  }
0x3b: {  	[tilespmem:s24+$0x11310] =	vst v0  }
0x3c: {  	[tilespmem:s24+$0x11320] =	vst v1  }
0x3d: {  	v3 =	vld [tilespmem:s23+$0x7D30]  }
0x3e: {  	v4 =	vld [tilespmem:s23+$0x7D00]  }
0x3f: {  	v6 =	vld [tilespmem:s23+$0x1930]  }
0x40: {  	v1 =	vld [tilespmem:s23+$0x7D10]  }
0x41: {  	v0 =	vld [tilespmem:s23+$0x7D20]  }
0x42: {  	v2 =	vld [tilespmem:s23+$0x1900];
	v7 =	vmul.f32 $8.000000000e+00, v3  }
0x43: {  	v3 =	vld [tilespmem:s23+$0x1910]  }
0x44: {  	s25 =	simm.s32 $0x200;
	s24 =	simm.s32 $0x40;
	v5 =	vmul.f32 $8.000000000e+00, v4;
	v4 =	vld [tilespmem:s23+$0x1920];
	v6 =	vadd.f32 v6, v7  }
.LBB2_5:
0x45: {  	p0 =	sne.s32 s25, $0xC700;
	v7 =	vld [tilespmem:s24+$0x7D30];
	v8 =	vmul.f32 $8.000000000e+00, v1  }
0x46: {  	v9 =	vld [tilespmem:s24+$0x7D00];
	v10 =	vmul.f32 $8.000000000e+00, v0;
	[tilespmem:s23+$0x14530] =	vst v6  }
0x47: {  	v6 =	vld [tilespmem:s24+$0x1930];
	v2 =	vadd.f32 v2, v5  }
.Ltmp1:
0x48: {  	v1 =	vld [tilespmem:s24+$0x7D10];
	v3 =	vadd.f32 v3, v8;
	(pc) =	sbr.rel @p0 .LBB2_5-.Ltmp1, $4  }
0x49: {  	v0 =	vld [tilespmem:s24+$0x7D20];
	[tilespmem:s23+$0x14500] =	vst v2;
	v4 =	vadd.f32 v4, v10  }
0x4a: {  	v2 =	vld [tilespmem:s24+$0x1900];
	v7 =	vmul.f32 $8.000000000e+00, v7;
	[tilespmem:s23+$0x14510] =	vst v3  }
0x4b: {  	v5 =	vmul.f32 $8.000000000e+00, v9;
	v3 =	vld [tilespmem:s24+$0x1910];
	[tilespmem:s23+$0x14520] =	vst v4;
	s23 =	smov.u32 s24  }
0x4c: {  	s24 =	sshra.s32 s25, $0x2;
	s25 =	sadd.s32 $0x100, s25;
	v4 =	vld [tilespmem:s23+$0x1920];
	v6 =	vadd.f32 v6, v7  }
0x4d: {  	v7 =	vld [tilespmem:s24+$0x7D30]  }
0x4e: {  	v8 =	vld [tilespmem:s24+$0x7D00];
	v1 =	vmul.f32 $8.000000000e+00, v1;
	[tilespmem:s23+$0x14530] =	vst v6  }
0x4f: {  	v0 =	vmul.f32 $8.000000000e+00, v0;
	v6 =	vld [tilespmem:s24+$0x1930];
	v2 =	vadd.f32 v2, v5  }
0x50: {  	v5 =	vld [tilespmem:s24+$0x7D10];
	v1 =	vadd.f32 v3, v1  }
0x51: {  	v9 =	vld [tilespmem:s24+$0x7D20];
	[tilespmem:s23+$0x14500] =	vst v2;
	v0 =	vadd.f32 v4, v0  }
0x52: {  	v2 =	vld [tilespmem:s24+$0x1900];
	[tilespmem:s23+$0x14510] =	vst v1  }
0x53: {  	v1 =	vld [tilespmem:s24+$0x1910];
	[tilespmem:s23+$0x14520] =	vst v0  }
0x54: {  	v0 =	vmul.f32 $8.000000000e+00, v7;
	v3 =	vld [tilespmem:s24+$0x1920]  }
0x55: {  	v4 =	vmul.f32 $8.000000000e+00, v8  }
0x56: {  	v5 =	vmul.f32 $8.000000000e+00, v5;
	v0 =	vadd.f32 v6, v0  }
0x57: {  	p0 =	seq.s32 s22, $0x7;
	v6 =	vmul.f32 $8.000000000e+00, v9;
	v2 =	vadd.f32 v2, v4  }
0x58: {  	s23 =	smul.u32 @!p0 $0xC80, s22;
	[tilespmem:s24+$0x14530] =	vst v0;
	v0 =	vadd.f32 v1, v5  }
0x59: {  	[tilespmem:s24+$0x14500] =	vst v2;
	v1 =	vadd.f32 v3, v6  }
0x5a: {  	s26 =	simm.s32 @!p0 $0x190;
	s23 =	sshra.s32 @!p0 s23, $0x2;
	[tilespmem:s24+$0x14510] =	vst v0  }
0x5b: {  	s28 =	simm.s32 @!p0 $0x4B00;
	s25 =	sadd.s32 @!p0 $0x320, s23;
	[tilespmem:s24+$0x14520] =	vst v1;
	s24 =	smul.u32 $0x320, s22  }
0x5c: {  	[tilespmem:s28], [sflag:$0x1] =	stream.indirect.gather @!p0 [hbm4b:s5+s26], $0x40, s25, s26, $0xb8;
	[tilespmem:$0x1DB00] =	vst v63  }
0x5d: {  	s31 =	sadd.s32 s4, s24  }
0x5e: {  	s25 =	sshll.u32 s31, $0x3  }
0x5f: {  	s25 =	sadd.s32 s2, s25  }
0x60: {  	[hbm4b:s25+s3] =	stream.linear.scatter [tilespmem:s16], [sflag:$0x3], $0x6400, $0x38;
	[tilespmem:$0x1DB00] =	vst v63  }
0x61: {  	_ =	swait.ge [sflag:s17], $0x6400  }
0x62: {  	[sflag:s17] =	ssyncset.done $0x0  }
0x63: {  	s25 =	simm.s32 @!p1 $0x4;
	[sflag:s17] =	ssyncadd.s32 $0xFFFF9C00  }
0x64: {  	_ =	swait.ge @!p1 [sflag:s25], $0x6400  }
0x65: {  	[sflag:s25] =	ssyncset.done @!p1 $0x0  }
0x66: {  	[sflag:s25] =	ssyncadd.s32 @!p1 $0xFFFF9C00;
	s25 =	simm.s32 $0x0  }
0x67: {  	v3 =	vld [tilespmem:s25+$0xAF30]  }
0x68: {  	v4 =	vld [tilespmem:s25+$0xAF00]  }
0x69: {  	v6 =	vld [tilespmem:s25+$0x1930]  }
0x6a: {  	v1 =	vld [tilespmem:s25+$0xAF10]  }
0x6b: {  	v0 =	vld [tilespmem:s25+$0xAF20]  }
0x6c: {  	v2 =	vld [tilespmem:s25+$0x1900];
	v7 =	vmul.f32 $8.000000000e+00, v3  }
0x6d: {  	v3 =	vld [tilespmem:s25+$0x1910]  }
0x6e: {  	s29 =	simm.s32 $0x200;
	s26 =	simm.s32 $0x40;
	s28 =	simm.s32 $0x0;
	v5 =	vmul.f32 $8.000000000e+00, v4;
	v4 =	vld [tilespmem:s25+$0x1920];
	v6 =	vadd.f32 v6, v7  }
.LBB2_7:
0x6f: {  	p1 =	sne.s32 s29, $0xC700;
	v7 =	vld [tilespmem:s26+$0xAF30];
	v8 =	vmul.f32 $8.000000000e+00, v1  }
0x70: {  	v9 =	vld [tilespmem:s26+$0xAF00];
	v10 =	vmul.f32 $8.000000000e+00, v0;
	[tilespmem:s28+$0x17730] =	vst v6  }
0x71: {  	v6 =	vld [tilespmem:s26+$0x1930];
	v2 =	vadd.f32 v2, v5  }
.Ltmp2:
0x72: {  	v1 =	vld [tilespmem:s26+$0xAF10];
	v3 =	vadd.f32 v3, v8;
	(pc) =	sbr.rel @p1 .LBB2_7-.Ltmp2, $4  }
0x73: {  	v0 =	vld [tilespmem:s26+$0xAF20];
	[tilespmem:s28+$0x17700] =	vst v2;
	v4 =	vadd.f32 v4, v10  }
0x74: {  	v2 =	vld [tilespmem:s26+$0x1900];
	v7 =	vmul.f32 $8.000000000e+00, v7;
	[tilespmem:s28+$0x17710] =	vst v3  }
0x75: {  	v5 =	vmul.f32 $8.000000000e+00, v9;
	v3 =	vld [tilespmem:s26+$0x1910];
	[tilespmem:s28+$0x17720] =	vst v4;
	s28 =	smov.u32 s26  }
0x76: {  	s26 =	sshra.s32 s29, $0x2;
	s29 =	sadd.s32 $0x100, s29;
	v4 =	vld [tilespmem:s28+$0x1920];
	v6 =	vadd.f32 v6, v7  }
0x77: {  	v7 =	vld [tilespmem:s26+$0xAF30]  }
0x78: {  	v8 =	vld [tilespmem:s26+$0xAF00];
	v1 =	vmul.f32 $8.000000000e+00, v1;
	[tilespmem:s28+$0x17730] =	vst v6  }
0x79: {  	v0 =	vmul.f32 $8.000000000e+00, v0;
	v6 =	vld [tilespmem:s26+$0x1930];
	v2 =	vadd.f32 v2, v5  }
0x7a: {  	v5 =	vld [tilespmem:s26+$0xAF10];
	v1 =	vadd.f32 v3, v1  }
0x7b: {  	v9 =	vld [tilespmem:s26+$0xAF20];
	[tilespmem:s28+$0x17700] =	vst v2;
	v0 =	vadd.f32 v4, v0  }
0x7c: {  	v2 =	vld [tilespmem:s26+$0x1900];
	[tilespmem:s28+$0x17710] =	vst v1  }
0x7d: {  	v1 =	vld [tilespmem:s26+$0x1910];
	[tilespmem:s28+$0x17720] =	vst v0  }
0x7e: {  	v0 =	vmul.f32 $8.000000000e+00, v7;
	v3 =	vld [tilespmem:s26+$0x1920]  }
0x7f: {  	v4 =	vmul.f32 $8.000000000e+00, v8  }
0x80: {  	v5 =	vmul.f32 $8.000000000e+00, v5;
	v0 =	vadd.f32 v6, v0  }
0x81: {  	v6 =	vmul.f32 $8.000000000e+00, v9;
	v2 =	vadd.f32 v2, v4  }
0x82: {  	[tilespmem:s26+$0x17730] =	vst v0;
	v0 =	vadd.f32 v1, v5  }
0x83: {  	[tilespmem:s26+$0x17700] =	vst v2;
	v1 =	vadd.f32 v3, v6  }
0x84: {  	[tilespmem:s26+$0x17710] =	vst v0  }
0x85: {  	[tilespmem:s26+$0x17720] =	vst v1  }
0x86: {  	v3 =	vld [tilespmem:s25+$0xE130]  }
0x87: {  	v4 =	vld [tilespmem:s25+$0xE100]  }
0x88: {  	v6 =	vld [tilespmem:s25+$0x1930]  }
0x89: {  	v1 =	vld [tilespmem:s25+$0xE110]  }
0x8a: {  	v0 =	vld [tilespmem:s25+$0xE120]  }
0x8b: {  	v2 =	vld [tilespmem:s25+$0x1900];
	v7 =	vmul.f32 $8.000000000e+00, v3  }
0x8c: {  	v3 =	vld [tilespmem:s25+$0x1910]  }
0x8d: {  	s28 =	simm.s32 $0x200;
	s26 =	simm.s32 $0x40;
	v5 =	vmul.f32 $8.000000000e+00, v4;
	v4 =	vld [tilespmem:s25+$0x1920];
	v6 =	vadd.f32 v6, v7  }
.LBB2_9:
0x8e: {  	p1 =	sne.s32 s28, $0xC700;
	v7 =	vld [tilespmem:s26+$0xE130];
	v8 =	vmul.f32 $8.000000000e+00, v1  }
0x8f: {  	v9 =	vld [tilespmem:s26+$0xE100];
	v10 =	vmul.f32 $8.000000000e+00, v0;
	[tilespmem:s25+$0x1A930] =	vst v6  }
0x90: {  	v6 =	vld [tilespmem:s26+$0x1930];
	v2 =	vadd.f32 v2, v5  }
.Ltmp3:
0x91: {  	v1 =	vld [tilespmem:s26+$0xE110];
	v3 =	vadd.f32 v3, v8;
	(pc) =	sbr.rel @p1 .LBB2_9-.Ltmp3, $4  }
0x92: {  	v0 =	vld [tilespmem:s26+$0xE120];
	[tilespmem:s25+$0x1A900] =	vst v2;
	v4 =	vadd.f32 v4, v10  }
0x93: {  	v2 =	vld [tilespmem:s26+$0x1900];
	v7 =	vmul.f32 $8.000000000e+00, v7;
	[tilespmem:s25+$0x1A910] =	vst v3  }
0x94: {  	v5 =	vmul.f32 $8.000000000e+00, v9;
	v3 =	vld [tilespmem:s26+$0x1910];
	[tilespmem:s25+$0x1A920] =	vst v4;
	s25 =	smov.u32 s26  }
0x95: {  	s26 =	sshra.s32 s28, $0x2;
	s28 =	sadd.s32 $0x100, s28;
	v4 =	vld [tilespmem:s25+$0x1920];
	v6 =	vadd.f32 v6, v7  }
0x96: {  	v7 =	vld [tilespmem:s26+$0xE130]  }
0x97: {  	v8 =	vld [tilespmem:s26+$0xE100];
	v1 =	vmul.f32 $8.000000000e+00, v1;
	[tilespmem:s25+$0x1A930] =	vst v6  }
0x98: {  	v0 =	vmul.f32 $8.000000000e+00, v0;
	v6 =	vld [tilespmem:s26+$0x1930];
	v2 =	vadd.f32 v2, v5  }
0x99: {  	v57 =	vld [tilespmem:s26+$0xE110];
	v1 =	vadd.f32 v3, v1  }
0x9a: {  	v9 =	vld [tilespmem:s26+$0xE120];
	[tilespmem:s25+$0x1A900] =	vst v2;
	v0 =	vadd.f32 v4, v0  }
0x9b: {  	v2 =	vld [tilespmem:s26+$0x1900];
	[tilespmem:s25+$0x1A910] =	vst v1  }
0x9c: {  	v1 =	vld [tilespmem:s26+$0x1910];
	[tilespmem:s25+$0x1A920] =	vst v0  }
0x9d: {  	v58 =	vmul.f32 $8.000000000e+00, v7;
	v59 =	vld [tilespmem:s26+$0x1920]  }
0x9e: {  	v60 =	vmul.f32 $8.000000000e+00, v8  }
0x9f: {  	v0 =	vadd.f32 v6, v58;
	v5 =	vmul.f32 $8.000000000e+00, v57  }
0xa0: {  	v61 =	vmul.f32 $8.000000000e+00, v9;
	v2 =	vadd.f32 v2, v60  }
0xa1: {  	[tilespmem:s26+$0x1A930] =	vst v0;
	v62 =	vadd.f32 v1, v5  }
0xa2: {  	[tilespmem:s26+$0x1A900] =	vst v2;
	v63 =	vadd.f32 v59, v61  }
0xa3: {  	s23 =	sadd.s32 @!p0 $0x4B0, s23;
	[tilespmem:s26+$0x1A910] =	vst v62  }
0xa4: {  	s22 =	sadd.s32 $0x1, s22;
	s25 =	simm.s32 @!p0 $0x190;
	[tilespmem:s26+$0x1A920] =	vst v63;
	s26 =	simm.s32 @!p0 $0xAF00  }
0xa5: {  	[tilespmem:s26], [sflag:$0x2] =	stream.indirect.gather @!p0 [hbm4b:s5+s25], $0x40, s23, s25, $0xb8;
	[tilespmem:$0x1DB00] =	vst v63  }
0xa6: {  	p0 =	sne.s32 s22, $0x8  }
.Ltmp4:
0xa7: {  	s31 =	sadd.s32 s24, s8;
	(pc) =	sbr.rel @p0 .LBB2_2-.Ltmp4, $4  }
0xa8: {  	s23 =	sshll.u32 s31, $0x3  }
0xa9: {  	s23 =	sand.u32 $0x1FFFFF80, s23  }
0xaa: {  	s23 =	sadd.s32 s2, s23  }
0xab: {  	[hbm4b:s23+s3] =	stream.linear.scatter [tilespmem:s18], [sflag:$0x4], $0x6400, $0x38;
	[tilespmem:$0x1DB00] =	vst v63  }
0xac: {  	s21 =	sadd.s32 $0x1, s21  }
0xad: {  	_ =	swait.ge [sflag:s19], $0x6400;
	p0 =	sne.s32 s21, s9  }
.Ltmp5:
0xae: {  	[sflag:s19] =	ssyncset.done $0x0;
	(pc) =	sbr.rel @p0 .LBB2_1-.Ltmp5, $4  }
0xaf: {  	[sflag:s19] =	ssyncadd.s32 $0xFFFF9C00  }
0xb0: {  	_ =	swait.ge [sflag:s20], $0x6400  }
0xb1: {  	[sflag:s20] =	ssyncset.done $0x0  }
0xb2: {  	[sflag:s20] =	ssyncadd.s32 $0xFFFF9C00  }
0xb3: {  	_ =	sfence.sel $0x180000  }
0xb4: {  	[bflag:$0x0] =	sbarrier.arrive $0xFFFF  }
0xb5: {  	p0 =	sne.s32 s0, $0x0;
	_ =	strace $0x90000047  }
0xb6: {  	s0 =	sadd.s32 @!p0 $0x100000, s1;
	[bflag:$0x2] =	sbarrier.arrive $0xFFFF  }
0xb7: {  	[sflag:s0] =	ssyncadd.tile.s32 @!p0 $0x1;
	_ =	shalt  }
.Lfunc_end2:
_tile_overlayer_lowered:
.L_overlay_start_2:
0xb8: {  	(tag) =	ssettag $0x2  }
0xb9: {  	s0 =	rddreg [dreg:$0x0];
	s2 =	stileid.u32  }
0xba: {  	s1 =	rddreg [dreg:$0x1];
	p0 =	sne.s32 s2, $0x0  }
0xbb: {  	s3 =	rddreg [dreg:$0x2];
	[bflag:$0x3] =	sbarrier.arrive $0xFFFF;
	s2 =	simm.s32 @!p0 $0x1C05  }
0xbc: {  	[timem:s3], [sflag:s2] =	dma.local @!p0 [hbm:s0], s1  }
0xbd: {  	s0 =	simm.s32 @!p0 $0x5  }
0xbe: {  	_ =	swait.ge @!p0 [sflag:s0], s1  }
0xbf: {  	s1 =	ssub.s32 @!p0 $0x0, s1;
	[sflag:s0] =	ssyncset.done @!p0 $0x0  }
0xc0: {  	[sflag:s0] =	ssyncadd.s32 @!p0 s1  }
0xc1: {  	[bflag:$0x3] =	sbarrier.arrive $0xFFFF  }
0xc2: {  	_ =	shalt  }

// kernel: sparse-core-data-format-call.cloned.1.call-start
scs
called_computation_lowered:
.L_overlay_start_0:
0x0: {  	s2 =	sld [smem:$0x3FD9]  }
0x1: {  	s3 =	sld [smem:$0x3FFE];
	_ =	sdelay $0x1  }
0x2: {  	s1 =	srdreg.scid  }
0x3: {  	s0 =	sand.u32 $0x1, s1  }
0x4: {  	s18 =	sshll.u32 s0, $0xA;
	s2 =	sadd.s32 s3, s2  }
0x5: {  	s2 =	sadd.s32 s2, s18  }
0x6: {  	[smem:$0x3FC6] =	sst s2  }
0x7: {  	_ = 	snop  }
0x8: {  	s2 =	sld [smem:$0x3FD0];
	(tm) =	ssettm $0x1  }
0x9: {  	s19 =	sld [smem:$0x3FFB];
	_ =	sdelay $0x3  }
0xa: {  	_ =	strace s19  }
0xb: {  	s3 =	sld [smem:$0x3FFC];
	_ =	sdelay $0x3  }
0xc: {  	_ =	strace s3  }
0xd: {  	s3 =	sld [smem:$0x3FFD];
	_ =	sdelay $0x3  }
0xe: {  	_ =	strace s3  }
0xf: {  	_ =	strace $0x8FFFFFFF  }
0x10: {  	s20 =	sld [smem:$0x3FDB];
	_ =	sdelay $0x1  }
0x11: {  	s4 =	simm.s32 $_scs_section_size  }
0x12: {  	s5 =	simm.s32 $_size__tile_overlayer_lowered;
	s6 =	simm.s32 $_tile_overlayer_lowered  }
0x13: {  	s23 =	simm.s32 $0x1BFF;
	s22 =	sshll.u32 s6, $0x1;
	s3 =	sadd.s32 s4, s20  }
0x14: {  	s7 =	simm.s32 $0x0;
	s21 =	sshll.u32 s5, $0x1;
	s5 =	sadd.s32 s22, s3  }
0x15: {  	[timem:s7], [sflag:s23] =	dma.local [hbm:s5], s21  }
0x16: {  	_ =	swait.ge [sflag:s23], s21  }
0x17: {  	s4 =	ssub.s32 $0x0, s21;
	[sflag:s23] =	ssyncset.done $0x0  }
0x18: {  	[sflag:s23] =	ssyncadd.s32 s4;
	_ =	sdelay $0x1  }
0x19: {  	s24 =	simm.s32 $0x1B8B  }
0x1a: {  	_ =	swait.ge [sflag:s24], $0x1  }
0x1b: {  	[sflag:s24] =	ssyncset.done $0x0  }
0x1c: {  	s26 =	simm.s32 $0x1B8E;
	s25 =	sld [smem:$0x3FFE];
	[sflag:s24] =	ssyncadd.s32 $0xFFFFFFFF  }
0x1d: {  	s27 =	simm.s32 $execute0_lowered;
	[smem:$0x3FD2] =	sst s26  }
0x1e: {  	s5 =	sshll.u32 s27, $0x1;
	_ =	strace $0x80000049;
	[dreg:$0x1] =	wrdreg $0xFFFFFFFF  }
0x1f: {  	s28 =	simm.s32 $_size_execute0_lowered;
	s3 =	sadd.s32 s3, s5;
	[dreg:$0x0] =	wrdreg $0x0  }
0x20: {  	s5 =	sshll.u32 s28, $0x1;
	[dreg:$0x2] =	wrdreg s3  }
0x21: {  	[dreg:$0x3] =	wrdreg s5  }
0x22: {  	[dreg:$0x4] =	wrdreg $0xC0  }
0x23: {  	_ =	task [dreg:s7], $0x5FFFF  }
0x24: {  	[dreg:$0x1] =	wrdreg $0xFFFFFFFF  }
0x25: {  	[dreg:$0x0] =	wrdreg $0x60  }
0x26: {  	[dreg:$0x2] =	wrdreg s25  }
0x27: {  	[dreg:$0x3] =	wrdreg s2  }
0x28: {  	[dreg:$0x4] =	wrdreg $0x9  }
0x29: {  	_ =	task.clear_ibuf [dreg:s7], $0x5FFFF;
	_ =	strace $0x90000049  }
0x2a: {  	s29 =	simm.s32 $0x9;
	_ =	strace $0x8000004B  }
0x2b: {  	_ =	swait.ge [sflag:s29], $0x1  }
0x2c: {  	[sflag:s29] =	ssyncadd.s32 $0xFFFFFFFF  }
0x2d: {  	_ =	strace $0x9000004B  }
0x2e: {  	_ =	sfence  }
0x2f: {  	s30 =	sld [smem:$0x0];
	_ =	sdelay $0x2  }
0x30: {  	s31 =	sshll.u32 s1, $0xD;
	s1 =	sshrl.u32 s1, $0x2  }
0x31: {  	s3 =	sand.u32 $0x4000, s31;
	s1 =	sadd.s32 s1, s30  }
0x32: {  	s0 =	sor.u32 s3, s0;
	s1 =	sshll.u32 s1, $0x11  }
0x33: {  	s0 =	sor.u32 s1, s0  }
0x34: {  	s0 =	sadd.s32 $0x8F2B, s0  }
0x35: {  	[sflag:s0] =	ssyncadd.remote.s32 $0x1  }
0x36: {  	_ =	sfence.sel $0xFFFF  }
0x37: {  	[dreg:$0x0] =	wrdreg $0xFFFFFFFF;
	(pc) =	sbr.abs _section_cstart, $3  }
0x38: {  	[dreg:$0x1] =	wrdreg $0xFFFFFFFF  }
0x39: {  	_ =	task.clear_ibuf [dreg:s7], $0x2FFFF;
	_ =	strace $0x9FFFFFFF  }
0x3a: {  	(tm) =	ssettm $0x7FFFFFFF  }
0x3b: {  	_ =	shalt  }
tec
execute0_lowered:
.L_overlay_start_1:
0x0: {  	(tag) =	ssettag $0x1  }
0x1: {  	s0 =	stileid.u32;
	s6 =	rddreg [dreg:$0x0]  }
0x2: {  	s2 =	rddreg [dreg:$0x1];
	s5 =	srdreg.scid  }
0x3: {  	s31 =	simm.s32 $0x2;
	s13 =	simm.s32 $0x0;
	s1 =	sshll.u32 s0, $0x7  }
0x4: {  	s14 =	simm.s32 $0x0;
	s12 =	simm.s32 $0x0;
	s3 =	sand.u32 $0x380, s1  }
0x5: {  	s5 =	sshll.u32 s5, $0x4;
	s6 =	sadd.s32 $0xC00, s6;
	s4 =	ssub.s32 $0x400, s3  }
0x6: {  	s1 =	rddreg [dreg:$0x2];
	_ =	strace $0x8000004A;
	s7 =	sand.u32 $0x380, s4  }
0x7: {  	s5 =	sand.u32 $0x10, s5;
	p0 =	sne.s32 s7, $0x0;
	s7 =	simm.s32 $0x1  }
.Ltmp0:
0x8: {  	s8 =	sshrl.u32 s4, $0xA;
	s7 =	simm.s32 @!p0 $0x0;
	(pc) =	sbr.rel .LBB1_1-.Ltmp0, $4  }
0x9: {  	s9 =	sor.u32 s0, s5;
	s4 =	simm.s32 $0x1;
	s30 =	sadd.s32 s7, s8  }
0xa: {  	s11 =	smov.u32 s3;
	[sflag:s4] =	ssyncpa.u1 $0x0;
	s5 =	smul.u32 $0x32, s30  }
0xb: {  	[sflag:s31] =	ssyncpa.u1 $0x0;
	p0 =	por $0x0, $0x0;
	s7 =	sshrl.u32 s9, $0x3  }
0xc: {  	s9 =	simm.s32 $0x2000;
	s10 =	smov.u32 s7;
	s8 =	sor.u32 $0x1, s5  }
.LBB1_4:
0xd: {  	s17 =	sand.u32 $0x1F80, s14;
	s13 =	sshll.u32 s13, $0xD  }
0xe: {  	[tilespmem:s16+$0x810 ss:$0x81] =	vst.msk $0xffff, v2;
	s18 =	sshrl.u32 s14, $0x3;
	s31 =	sand.u32 $0x7, s14;
	s17 =	sadd.s32 s2, s17  }
0xf: {  	[tilespmem:s16+$0x1020 ss:$0x81] =	vst.msk $0xffff, v0;
	s18 =	sand.u32 $0xF, s18;
	s14 =	sshll.u32 s31, $0x12;
	s13 =	sadd.s32 s13, s17  }
0x10: {  	[tilespmem:s16+$0x0 ss:$0x81] =	vst.msk $0xffff, v1;
	s14 =	sor.u32 $0x400, s14;
	s13 =	sadd.s32 s18, s13  }
0x11: {  	[hbm4b:s13+s14] =	stream.strided.scatter [tilespmem:s15], [sflag:$0x2], $0x2000, s9, s14, $0x20;
	[tilespmem:$0x8080] =	vst v63  }
.LBB1_5:
0x12: {  	s15 =	sadd.s32 $0x4, s10  }
0x13: {  	s13 =	sadd.s32 $0x400, s11;
	s17 =	smov.u32 s11;
	p2 =	sgt.s32 s15, $0xC7  }
0x14: {  	s17 =	smov.u32 @p2 s13  }
0x15: {  	s15 =	smov.u32 @p2 s7;
	p2 =	sgt.s32 s17, $0x3FF  }
0x16: {  	s17 =	smov.u32 @p2 s3;
	p2 =	sne.s32 s12, s8  }
.Ltmp1:
0x17: {  	p1 =	slt.u32 s12, $0x2;
	(pc) =	sbr.rel @!p2 .LBB1_6-.Ltmp1, $4  }
0x18: {  	s16 =	simm.s32 @!p1 $0x2  }
0x19: {  	s14 =	smov.u32 s11;
	p0 =	por !p0, !p0;
	_ =	swait.ge @!p1 [sflag:s16], $0x2000  }
0x1a: {  	s13 =	smov.u32 s10;
	[sflag:s16] =	ssyncset.done @!p1 $0x0;
	s10 =	smov.u32 s15  }
0x1b: {  	s12 =	sadd.s32 $0x1, s12;
	[sflag:s16] =	ssyncadd.s32 @!p1 $0xFFFFE000;
	s11 =	smov.u32 s17  }
.LBB1_1:
0x1c: {  	p1 =	sge.u32 s12, s5  }
0x1d: {  	s15 =	sand.u32 @!p1 $0x1FFFFFF, s10  }
0x1e: {  	s16 =	smulhi.u32 @!p1 $0x147AE15, s15;
	_ =	sdelay $0x1  }
0x1f: {  	s16 =	smul.u32 @!p1 $0xC8, s16  }
0x20: {  	s17 =	sxor.u32 @!p1 $0xFFFFFFFF, s12;
	s18 =	smul.u32 @!p1 $0xC80, s11  }
0x21: {  	s31 =	sadd.s32 $0xFFFFFFFF, s12;
	s17 =	sshll.u32 @!p1 s17, $0xD;
	s15 =	ssub.s32 @!p1 s15, s16  }
0x22: {  	s16 =	sand.u32 @!p1 $0x2000, s17;
	s17 =	sadd.s32 @!p1 s6, s18;
	s15 =	sshll.u32 @!p1 s15, $0x4  }
0x23: {  	s18 =	simm.s32 @!p1 $0x6400;
	s15 =	sadd.s32 @!p1 s15, s17;
	s17 =	simm.s32 @!p1 $0x40  }
0x24: {  	[tilespmem:s16], [sflag:$0x1] =	stream.strided.gather @!p1 [hbm4b:s15+s17], $0x2000, s18, s17, $0x38;
	[tilespmem:$0x8080] =	vst v63  }
0x25: {  	p1 =	sge.u32 s31, s5  }
.Ltmp2:
0x26: {  	_ = 	snop;
	(pc) =	sbr.rel @p1 .LBB1_5-.Ltmp2, $1  }
0x27: {  	_ =	sdelay $0x3  }
0x28: {  	s15 =	simm.s32 $0x1  }
0x29: {  	_ =	swait.ge [sflag:s4], $0x2000;
	s15 =	simm.s32 @!p0 $0x0  }
0x2a: {  	[sflag:s4] =	ssyncset.done $0x0;
	s16 =	sshll.u32 s15, $0xD  }
0x2b: {  	[sflag:s4] =	ssyncadd.s32 $0xFFFFE000;
	s19 =	sor.u32 $0x20, s16  }
0x2c: {  	s15 =	smul.u32 $0x8100, s15;
	v3 =	vld [tilespmem:s19+$0x10]  }
0x2d: {  	s30 =	sand.u32 $0x1, s12;
	v2 =	vld [tilespmem:s19+$0xFFFFFFF0]  }
0x2e: {  	s16 =	smul.u32 $0x8100, s30;
	s15 =	sshrl.u32 s15, $0x2;
	v0 =	vld [tilespmem:s19+$0x0]  }
0x2f: {  	v1 =	vld [tilespmem:s19+$0xFFFFFFE0];
	s17 =	sor.u32 $0x4000, s15  }
0x30: {  	s31 =	sshrl.u32 s16, $0x2;
	s16 =	sadd.s32 $0x0, s17  }
0x31: {  	s18 =	simm.s32 $0x4;
	s19 =	sadd.s32 $0x40, s19;
	s15 =	sor.u32 $0x4000, s31;
	[tilespmem:s16+$0x1830 ss:$0x81] =	vst.msk $0xffff, v3  }
.LBB1_3:
0x32: {  	v3 =	vld [tilespmem:s19+$0x10];
	p1 =	sne.s32 s18, $0x1FC;
	[tilespmem:s16+$0x810 ss:$0x81] =	vst.msk $0xffff, v2;
	s20 =	smov.u32 s18;
	s18 =	sadd.s32 $0x4, s18  }
.Ltmp3:
0x33: {  	v2 =	vld [tilespmem:s19+$0xFFFFFFF0];
	[tilespmem:s16+$0x1020 ss:$0x81] =	vst.msk $0xffff, v0;
	(pc) =	sbr.rel @p1 .LBB1_3-.Ltmp3, $4  }
0x34: {  	v0 =	vld [tilespmem:s19+$0x0];
	[tilespmem:s16+$0x0 ss:$0x81] =	vst.msk $0xffff, v1  }
0x35: {  	s16 =	sshra.s32 s20, $0x2;
	v1 =	vld [tilespmem:s19+$0xFFFFFFE0]  }
0x36: {  	s16 =	sadd.s32 s16, s17  }
0x37: {  	s19 =	sadd.s32 $0x40, s19;
	[tilespmem:s16+$0x1830 ss:$0x81] =	vst.msk $0xffff, v3  }
.Ltmp4:
0x38: {  	_ = 	snop;
	(pc) =	sbr.rel .LBB1_4-.Ltmp4, $1  }
0x39: {  	_ =	sdelay $0x3  }
.LBB1_6:
0x3a: {  	_ =	sfence.sel $0x180000  }
0x3b: {  	s2 =	simm.s32 $0x1;
	[bflag:$0x0] =	sbarrier.arrive $0xFFFF  }
0x3c: {  	s31 =	simm.s32 $0x2;
	[sflag:s2] =	ssyncpa.u1 $0x1  }
0x3d: {  	[sflag:s31] =	ssyncpa.u1 $0x1  }
0x3e: {  	p0 =	sne.s32 s0, $0x0;
	_ =	strace $0x9000004A  }
0x3f: {  	s0 =	sadd.s32 @!p0 $0x100000, s1;
	[bflag:$0x2] =	sbarrier.arrive $0xFFFF  }
0x40: {  	[sflag:s0] =	ssyncadd.tile.s32 @!p0 $0x1;
	_ =	shalt  }
.Lfunc_end1:
_tile_overlayer_lowered:
.L_overlay_start_2:
0x41: {  	(tag) =	ssettag $0x2  }
0x42: {  	s0 =	rddreg [dreg:$0x0];
	s2 =	stileid.u32  }
0x43: {  	s1 =	rddreg [dreg:$0x1];
	p0 =	sne.s32 s2, $0x0  }
0x44: {  	s3 =	rddreg [dreg:$0x2];
	[bflag:$0x3] =	sbarrier.arrive $0xFFFF;
	s2 =	simm.s32 @!p0 $0x1C01  }
0x45: {  	[timem:s3], [sflag:s2] =	dma.local @!p0 [hbm:s0], s1  }
0x46: {  	s0 =	simm.s32 @!p0 $0x1  }
0x47: {  	_ =	swait.ge @!p0 [sflag:s0], s1  }
0x48: {  	s1 =	ssub.s32 @!p0 $0x0, s1;
	[sflag:s0] =	ssyncset.done @!p0 $0x0  }
0x49: {  	[sflag:s0] =	ssyncadd.s32 @!p0 s1  }
0x4a: {  	[bflag:$0x3] =	sbarrier.arrive $0xFFFF  }
0x4b: {  	_ =	shalt  }

</sc_bundles>
